<compile_context>
chip_gen: v7x
topology: tpu7x:2x2x1
jax: 0.10.2.dev20260603
libtpu: 0.0.44.dev20260713+nightly
codegen_flags: <defaults>
</compile_context>

<pallas_src>
import functools

import jax
import jax.numpy as jnp
from jax import lax
from jax.experimental import pallas as pl
from jax.experimental.pallas import tpu as pltpu
from jax.experimental.pallas import tpu_sc as plsc

NC = 2
NS = 16
NW = NC * NS
CH = 80


def _pad_nodes(n_nodes):
    block = NS * 128
    return ((n_nodes + block - 1) // block) * block


def _deg_partials(dst3, ones, zeros, n_nodes):
    _, nf, _ = dst3.shape
    NP = _pad_nodes(n_nodes)
    RPT = NP // NS
    W = 128
    mesh = plsc.VectorSubcoreMesh(core_axis_name="c", subcore_axis_name="s",
                                  num_cores=NC, num_subcores=NS)

    @functools.partial(
        pl.kernel,
        out_type=jax.ShapeDtypeStruct((NC, NP, W), jnp.float32),
        mesh=mesh,
        scratch_types=[
            pltpu.VMEM((nf, CH), jnp.int32),
            pltpu.VMEM((CH, W), jnp.float32),
            pltpu.VMEM_SHARED((NP, W), jnp.float32),
        ],
    )
    def deg_kernel(dst_hbm, ones_hbm, zeros_hbm, out_hbm, didx, ones_v, acc):
        c = lax.axis_index("c")
        s = lax.axis_index("s")
        w = c * NS + s

        pltpu.sync_copy(dst_hbm.at[w], didx)
        pltpu.sync_copy(ones_hbm, ones_v)
        pltpu.sync_copy(zeros_hbm, acc.at[pl.ds(s * RPT, RPT)])
        plsc.subcore_barrier()

        def chunk(i, _):
            pltpu.sync_copy(ones_v, acc.at[didx.at[i]], add=True)
            return 0

        lax.fori_loop(0, nf, chunk, 0)
        plsc.subcore_barrier()
        pltpu.sync_copy(acc.at[pl.ds(s * RPT, RPT)],
                        out_hbm.at[c, pl.ds(s * RPT, RPT)])

    return deg_kernel(dst3, ones, zeros)


def _agg_partials(hp, src1, dst3, zeros):
    n_nodes, F = hp.shape
    _, nf, _ = dst3.shape
    assert nf % 2 == 1
    EPW = nf * CH
    NP = _pad_nodes(n_nodes)
    RPT = NP // NS
    mesh = plsc.VectorSubcoreMesh(core_axis_name="c", subcore_axis_name="s",
                                  num_cores=NC, num_subcores=NS)

    @functools.partial(
        pl.kernel,
        out_type=jax.ShapeDtypeStruct((NC, NP, F), jnp.float32),
        mesh=mesh,
        scratch_types=[
            pltpu.VMEM((EPW,), jnp.int32),
            pltpu.VMEM((nf, CH), jnp.int32),
            pltpu.VMEM((CH, F), jnp.float32),
            pltpu.VMEM((CH, F), jnp.float32),
            pltpu.VMEM_SHARED((NP, F), jnp.float32),
            pltpu.SemaphoreType.DMA,
            pltpu.SemaphoreType.DMA,
        ],
    )
    def agg_kernel(hp_hbm, src_hbm, dst_hbm, zeros_hbm, out_hbm,
                   sidx, didx, rows0, rows1, acc, sem0, sem1):
        c = lax.axis_index("c")
        s = lax.axis_index("s")
        w = c * NS + s

        pltpu.sync_copy(src_hbm.at[pl.ds(w * EPW, EPW)], sidx)
        pltpu.sync_copy(dst_hbm.at[w], didx)
        pltpu.async_copy(hp_hbm.at[sidx.at[pl.ds(0, CH)]], rows0, sem0)
        pltpu.async_copy(hp_hbm.at[sidx.at[pl.ds(CH, CH)]], rows1, sem1)
        pltpu.sync_copy(zeros_hbm, acc.at[pl.ds(s * RPT, RPT)])
        plsc.subcore_barrier()

        def half(i, rows, sem):
            pltpu.make_async_copy(hp_hbm.at[sidx.at[pl.ds(0, CH)]], rows, sem).wait()
            pltpu.sync_copy(rows, acc.at[didx.at[i]], add=True)

            @pl.when(i + 2 < nf)
            def _():
                pltpu.async_copy(hp_hbm.at[sidx.at[pl.ds((i + 2) * CH, CH)]], rows, sem)

        def pair(k, _):
            half(2 * k, rows0, sem0)
            half(2 * k + 1, rows1, sem1)
            return 0

        lax.fori_loop(0, (nf - 1) // 2, pair, 0)
        half(nf - 1, rows0, sem0)
        plsc.subcore_barrier()
        pltpu.sync_copy(acc.at[pl.ds(s * RPT, RPT)],
                        out_hbm.at[c, pl.ds(s * RPT, RPT)])

    return agg_kernel(hp, src1, dst3, zeros)


def _mm_scale(x, W, deg0, deg1):
    n, F = x.shape
    H = W.shape[0]
    BR = 1000
    nb = n // BR

    def body(x_ref, w_ref, d0_ref, d1_ref, o_ref, dis_ref):
        dis = lax.rsqrt(d0_ref[:, 0:1] + d1_ref[:, 0:1] + 1.0)
        h = lax.dot_general(x_ref[...], w_ref[...], (((1,), (1,)), ((), ())),
                            preferred_element_type=jnp.float32)
        o_ref[...] = h * dis
        dis_ref[...] = dis

    return pl.pallas_call(
        body,
        grid=(nb,),
        in_specs=[pl.BlockSpec((BR, F), lambda i: (i, 0)),
                  pl.BlockSpec((H, F), lambda i: (0, 0)),
                  pl.BlockSpec((BR, 128), lambda i: (i, 0)),
                  pl.BlockSpec((BR, 128), lambda i: (i, 0))],
        out_specs=[pl.BlockSpec((BR, H), lambda i: (i, 0)),
                   pl.BlockSpec((BR, 1), lambda i: (i, 0))],
        out_shape=[jax.ShapeDtypeStruct((n, H), jnp.float32),
                   jax.ShapeDtypeStruct((n, 1), jnp.float32)],
    )(x, W, deg0, deg1)


def _layer_mm(a0, a1, hp, dis1, b, W):
    n, F = hp.shape
    H = W.shape[0]
    BR = 1000
    nb = n // BR

    def body(a0_ref, a1_ref, hp_ref, dis_ref, b_ref, w_ref, o_ref):
        dis = dis_ref[...]
        z = jnp.maximum(dis * (a0_ref[...] + a1_ref[...] + hp_ref[...])
                        + b_ref[...], 0.0)
        h = lax.dot_general(z, w_ref[...], (((1,), (1,)), ((), ())),
                            preferred_element_type=jnp.float32)
        o_ref[...] = h * dis

    return pl.pallas_call(
        body,
        grid=(nb,),
        in_specs=[pl.BlockSpec((BR, F), lambda i: (i, 0)),
                  pl.BlockSpec((BR, F), lambda i: (i, 0)),
                  pl.BlockSpec((BR, F), lambda i: (i, 0)),
                  pl.BlockSpec((BR, 1), lambda i: (i, 0)),
                  pl.BlockSpec((1, F), lambda i: (0, 0)),
                  pl.BlockSpec((H, F), lambda i: (0, 0))],
        out_specs=pl.BlockSpec((BR, H), lambda i: (i, 0)),
        out_shape=jax.ShapeDtypeStruct((n, H), jnp.float32),
    )(a0, a1, hp, dis1, b, W)


def _pool_heads(a0, a1, hp, dis1, b, batch2d, Wv, bv, Wp, bp, n_graphs):
    n, F = hp.shape
    A = Wp.shape[0]
    G = n_graphs
    BR = 1000
    nb = n // BR

    def body(a0_ref, a1_ref, hp_ref, dis_ref, b_ref, bt_ref,
             wv_ref, bv_ref, wp_ref, bp_ref, v_ref, p_ref, pool_acc, cnt_acc):
        i = pl.program_id(0)

        @pl.when(i == 0)
        def _():
            pool_acc[...] = jnp.zeros_like(pool_acc)
            cnt_acc[...] = jnp.zeros_like(cnt_acc)

        dis = dis_ref[...]
        z = jnp.maximum(dis * (a0_ref[...] + a1_ref[...] + hp_ref[...])
                        + b_ref[...], 0.0)
        oh = (bt_ref[...] == lax.broadcasted_iota(jnp.int32, (1, G), 1)
              ).astype(jnp.float32)
        pool_acc[...] += lax.dot_general(oh, z, (((0,), (0,)), ((), ())),
                                         precision=lax.Precision.HIGHEST,
                                         preferred_element_type=jnp.float32)
        cnt_acc[...] += lax.dot_general(oh, jnp.ones((BR, F), jnp.float32),
                                        (((0,), (0,)), ((), ())),
                                        precision=lax.Precision.HIGHEST,
                                        preferred_element_type=jnp.float32)

        @pl.when(i == nb - 1)
        def _():
            pooled = pool_acc[...] / jnp.maximum(cnt_acc[...], 1.0)
            lv = lax.dot_general(pooled, wv_ref[...], (((1,), (1,)), ((), ())),
                                 preferred_element_type=jnp.float32)
            v_ref[...] = jnp.tanh(lv[:, 0:1] + bv_ref[0, 0])
            logits = lax.dot_general(pooled, wp_ref[...],
                                     (((1,), (1,)), ((), ())),
                                     preferred_element_type=jnp.float32) + bp_ref[...]
            m = jnp.max(logits, axis=1, keepdims=True)
            e = jnp.exp(logits - m)
            p_ref[...] = e / jnp.sum(e, axis=1, keepdims=True)

    return pl.pallas_call(
        body,
        grid=(nb,),
        in_specs=[pl.BlockSpec((BR, F), lambda i: (i, 0)),
                  pl.BlockSpec((BR, F), lambda i: (i, 0)),
                  pl.BlockSpec((BR, F), lambda i: (i, 0)),
                  pl.BlockSpec((BR, 1), lambda i: (i, 0)),
                  pl.BlockSpec((1, F), lambda i: (0, 0)),
                  pl.BlockSpec((BR, 1), lambda i: (i, 0)),
                  pl.BlockSpec((F, F), lambda i: (0, 0)),
                  pl.BlockSpec((1, 1), lambda i: (0, 0)),
                  pl.BlockSpec((A, F), lambda i: (0, 0)),
                  pl.BlockSpec((1, A), lambda i: (0, 0))],
        out_specs=[pl.BlockSpec((G, 1), lambda i: (0, 0)),
                   pl.BlockSpec((G, A), lambda i: (0, 0))],
        out_shape=[jax.ShapeDtypeStruct((G, 1), jnp.float32),
                   jax.ShapeDtypeStruct((G, A), jnp.float32)],
        scratch_shapes=[pltpu.VMEM((G, F), jnp.float32),
                        pltpu.VMEM((G, F), jnp.float32)],
    )(a0, a1, hp, dis1, b, batch2d, Wv, bv, Wp, bp)


def kernel(x, edge_index, batch, W1, b1, W2, b2, Wv, bv, Wp, bp):
    n = x.shape[0]
    E = edge_index.shape[1]
    nf = E // NW // CH
    src1 = edge_index[0]
    dst3 = edge_index[1].reshape(NW, nf, CH)
    RPT = _pad_nodes(n) // NS
    ones = jnp.ones((CH, 128), jnp.float32)
    zeros = jnp.zeros((RPT, 128), jnp.float32)
    G = 64

    degp = _deg_partials(dst3, ones, zeros, n)
    h1p, dis1 = _mm_scale(x, W1, degp[0], degp[1])
    ag1 = _agg_partials(h1p, src1, dst3, zeros)
    h2p = _layer_mm(ag1[0], ag1[1], h1p, dis1, b1.reshape(1, -1), W2)
    ag2 = _agg_partials(h2p, src1, dst3, zeros)
    Wv_pad = jnp.zeros((x.shape[1], x.shape[1]), jnp.float32).at[0].set(Wv[0])
    v, p = _pool_heads(ag2[0], ag2[1], h2p, dis1, b2.reshape(1, -1),
                       batch.reshape(-1, 1), Wv_pad, bv.reshape(1, 1), Wp,
                       bp.reshape(1, -1), G)
    return (v, p)

# --- scband reference (transcript-rebuilt; emitter-appended) ---
"""Pipeline reference for scband-hive-gnn-15195594293849 (READ-ONLY COPY).

The authoritative reference and input builder live on the scoring server;
editing this copy changes nothing except your own understanding.
"""

import jax, jax.numpy as jnp
import numpy as np

N = 10000
E = 320000
F = 128
H = 128
A = 1024
G = 64


def setup_inputs(seed: int = 0) -> dict:
    key = jax.random.key(seed)
    ks = jax.random.split(key, 12)
    x = jax.random.normal(ks[0], (N, F), dtype=jnp.float32)
    edge_index = jax.random.randint(ks[1], (2, E), 0, N, dtype=jnp.int32)
    batch = jnp.sort(jax.random.randint(ks[2], (N,), 0, G, dtype=jnp.int32))
    W1 = jax.random.normal(ks[3], (H, F), dtype=jnp.float32) * 0.05
    b1 = jnp.zeros((H,), dtype=jnp.float32)
    W2 = jax.random.normal(ks[4], (H, H), dtype=jnp.float32) * 0.05
    b2 = jnp.zeros((H,), dtype=jnp.float32)
    Wv = jax.random.normal(ks[5], (1, H), dtype=jnp.float32) * 0.05
    bv = jnp.zeros((1,), dtype=jnp.float32)
    Wp = jax.random.normal(ks[6], (A, H), dtype=jnp.float32) * 0.05
    bp = jnp.zeros((A,), dtype=jnp.float32)
    return {"x": x, "edge_index": edge_index, "batch": batch,
            "W1": W1, "b1": b1, "W2": W2, "b2": b2,
            "Wv": Wv, "bv": bv, "Wp": Wp, "bp": bp}


def gcn_conv(x, edge_index, W, b):
    # GCNConv: add self-loops, symmetric normalization, linear transform,
    # gather messages from src, scatter-add into dst, add bias.
    num_nodes = x.shape[0]
    src = edge_index[0]
    dst = edge_index[1]
    loop = jnp.arange(num_nodes, dtype=src.dtype)
    src = jnp.concatenate([src, loop])
    dst = jnp.concatenate([dst, loop])
    deg = jnp.zeros((num_nodes,), dtype=x.dtype).at[dst].add(1.0)
    deg_inv_sqrt = jnp.where(deg > 0, jax.lax.rsqrt(jnp.maximum(deg, 1e-12)), 0.0)
    norm = deg_inv_sqrt[src] * deg_inv_sqrt[dst]
    h = x @ W.T
    msg = h[src] * norm[:, None]
    out = jnp.zeros_like(h).at[dst].add(msg)
    return out + b


def reference(x, edge_index, batch, W1, b1, W2, b2, Wv, bv, Wp, bp):
    h = jax.nn.relu(gcn_conv(x, edge_index, W1, b1))
    h = jax.nn.relu(gcn_conv(h, edge_index, W2, b2))
    sums = jax.ops.segment_sum(h, batch, num_segments=G)
    counts = jax.ops.segment_sum(jnp.ones((h.shape[0], 1), dtype=h.dtype), batch, num_segments=G)
    pooled = sums / jnp.maximum(counts, 1.0)
    v = jnp.tanh(pooled @ Wv.T + bv)
    p = jax.nn.softmax(pooled @ Wp.T + bp, axis=-1)
    return (v, p)

if __name__ == "__main__":
    import jax
    _d = setup_inputs()
    print(jax.jit(kernel)(*tuple(_d.values())))

</pallas_src>

<mosaic_0001>
#map = affine_map<(d0, d1) -> (0, 0)>
#map1 = affine_map<(d0, d1) -> (0)>
#map2 = affine_map<(d0, d1) -> (0, 0, 0)>
module attributes {stable_mosaic.version = 14 : i64} {
  func.func @agg_kernel(%arg0: i32, %arg1: i32, %arg2: memref<10000x128xf32, #tpu.memory_space<hbm>>, %arg3: memref<320000xi32, #tpu.memory_space<hbm>>, %arg4: memref<32x125x80xi32, #tpu.memory_space<hbm>>, %arg5: memref<640x128xf32, #tpu.memory_space<hbm>>, %arg6: memref<2x10240x128xf32, #tpu.memory_space<hbm>>, %arg7: memref<10000xi32, #tpu.memory_space<vmem>>, %arg8: memref<125x80xi32, #tpu.memory_space<vmem>>, %arg9: memref<80x128xf32, #tpu.memory_space<vmem>>, %arg10: memref<80x128xf32, #tpu.memory_space<vmem>>, %arg11: memref<10240x128xf32, #tpu.memory_space<vmem_shared>>, %arg12: memref<!tpu.dma_semaphore, #tpu.memory_space<semaphore_mem>>, %arg13: memref<!tpu.dma_semaphore, #tpu.memory_space<semaphore_mem>>) attributes {dimension_semantics = [#tpu.dimension_semantics<core_parallel>, #tpu.dimension_semantics<subcore_parallel>], iteration_bounds = array<i64: 2, 16>, scalar_prefetch = 0 : i64, scratch_operands = 7 : i64, tpu.core_type = #tpu.core_type<sc_vector_subcore>, window_params = [{transform_indices = #map}, {transform_indices = #map1}, {transform_indices = #map2}, {transform_indices = #map}, {transform_indices = #map2}]} {
    %mul3A = arith.constant 16 : i32
    %mul3A_0 = arith.muli %arg0, %mul3A : i32
    %add3A = arith.addi %mul3A_0, %arg1 : i32
    %mul3A_1 = arith.constant 10000 : i32
    %mul3A_2 = arith.muli %add3A, %mul3A_1 : i32
    "tpu.region"() ({
      %run_scoped3A_29 = tpu.sem_alloc : memref<!tpu.dma_semaphore, #tpu.memory_space<semaphore_mem>>
      %dma_start3A_30 = tpu.memref_slice %arg3[%mul3A_2] : memref<320000xi32, #tpu.memory_space<hbm>> -> memref<10000xi32, #tpu.memory_space<hbm>>
      %dma_start3A_31 = tpu.memref_slice %arg3[%mul3A_2] : memref<320000xi32, #tpu.memory_space<hbm>> -> memref<10000xi32, #tpu.memory_space<hbm>>
      tpu.enqueue_dma source(%dma_start3A_31 : memref<10000xi32, #tpu.memory_space<hbm>>) target(%arg7 : memref<10000xi32, #tpu.memory_space<vmem>>) target_semaphore(%run_scoped3A_29 : memref<!tpu.dma_semaphore, #tpu.memory_space<semaphore_mem>>)
      %dma_wait3A_32 = tpu.memref_slice %arg3[%mul3A_2] : memref<320000xi32, #tpu.memory_space<hbm>> -> memref<10000xi32, #tpu.memory_space<hbm>>
      %dma_wait3A_33 = tpu.memref_slice %arg3[%mul3A_2] : memref<320000xi32, #tpu.memory_space<hbm>> -> memref<10000xi32, #tpu.memory_space<hbm>>
      tpu.wait_dma2 semaphore(%run_scoped3A_29 : memref<!tpu.dma_semaphore, #tpu.memory_space<semaphore_mem>>) src(%dma_wait3A_33 : memref<10000xi32, #tpu.memory_space<hbm>>) dst(%arg7 : memref<10000xi32, #tpu.memory_space<vmem>>)
      tpu.yield
    }) : () -> ()
    "tpu.region"() ({
      %run_scoped3A_29 = tpu.sem_alloc : memref<!tpu.dma_semaphore, #tpu.memory_space<semaphore_mem>>
      %dma_start3A_30 = arith.constant 0 : i32
      %dma_start3A_31 = arith.constant 0 : i32
      %dma_start3A_32 = tpu.memref_slice %arg4[%add3A, %dma_start3A_30, %dma_start3A_31] : memref<32x125x80xi32, #tpu.memory_space<hbm>> -> memref<1x125x80xi32, #tpu.memory_space<hbm>>
      %dma_start3A_33 = tpu.memref_squeeze %dma_start3A_32 : memref<1x125x80xi32, #tpu.memory_space<hbm>> -> memref<125x80xi32, #tpu.memory_space<hbm>>
      %dma_start3A_34 = arith.constant 0 : i32
      %dma_start3A_35 = arith.constant 0 : i32
      %dma_start3A_36 = tpu.memref_slice %arg4[%add3A, %dma_start3A_34, %dma_start3A_35] : memref<32x125x80xi32, #tpu.memory_space<hbm>> -> memref<1x125x80xi32, #tpu.memory_space<hbm>>
      %dma_start3A_37 = tpu.memref_squeeze %dma_start3A_36 : memref<1x125x80xi32, #tpu.memory_space<hbm>> -> memref<125x80xi32, #tpu.memory_space<hbm>>
      tpu.enqueue_dma source(%dma_start3A_37 : memref<125x80xi32, #tpu.memory_space<hbm>>) target(%arg8 : memref<125x80xi32, #tpu.memory_space<vmem>>) target_semaphore(%run_scoped3A_29 : memref<!tpu.dma_semaphore, #tpu.memory_space<semaphore_mem>>)
      %dma_wait3A_38 = arith.constant 0 : i32
      %dma_wait3A_39 = arith.constant 0 : i32
      %dma_wait3A_40 = tpu.memref_slice %arg4[%add3A, %dma_wait3A_38, %dma_wait3A_39] : memref<32x125x80xi32, #tpu.memory_space<hbm>> -> memref<1x125x80xi32, #tpu.memory_space<hbm>>
      %dma_wait3A_41 = tpu.memref_squeeze %dma_wait3A_40 : memref<1x125x80xi32, #tpu.memory_space<hbm>> -> memref<125x80xi32, #tpu.memory_space<hbm>>
      %dma_wait3A_42 = arith.constant 0 : i32
      %dma_wait3A_43 = arith.constant 0 : i32
      %dma_wait3A_44 = tpu.memref_slice %arg4[%add3A, %dma_wait3A_42, %dma_wait3A_43] : memref<32x125x80xi32, #tpu.memory_space<hbm>> -> memref<1x125x80xi32, #tpu.memory_space<hbm>>
      %dma_wait3A_45 = tpu.memref_squeeze %dma_wait3A_44 : memref<1x125x80xi32, #tpu.memory_space<hbm>> -> memref<125x80xi32, #tpu.memory_space<hbm>>
      tpu.wait_dma2 semaphore(%run_scoped3A_29 : memref<!tpu.dma_semaphore, #tpu.memory_space<semaphore_mem>>) src(%dma_wait3A_45 : memref<125x80xi32, #tpu.memory_space<hbm>>) dst(%arg8 : memref<125x80xi32, #tpu.memory_space<vmem>>)
      tpu.yield
    }) : () -> ()
    %dma_start3A = arith.constant 0 : i32
    %dma_start3A_3 = tpu.memref_slice %arg7[%dma_start3A] : memref<10000xi32, #tpu.memory_space<vmem>> -> memref<80xi32, #tpu.memory_space<vmem>>
    %dma_start3A_4 = arith.constant 0 : i32
    %dma_start3A_5 = arith.constant 0 : i32
    %dma_start3A_6 = tpu.memref_slice %arg2[%dma_start3A_4, %dma_start3A_5] : memref<10000x128xf32, #tpu.memory_space<hbm>> -> memref<10000x128xf32, #tpu.memory_space<hbm>>
    tpu.enqueue_indirect_dma source(%dma_start3A_6 : memref<10000x128xf32, #tpu.memory_space<hbm>>) target(%arg9 : memref<80x128xf32, #tpu.memory_space<vmem>>) offsets(%dma_start3A_3 : memref<80xi32, #tpu.memory_space<vmem>>) semaphore(%arg12 : memref<!tpu.dma_semaphore, #tpu.memory_space<semaphore_mem>>)
    %dma_start3A_7 = arith.constant 80 : i32
    %dma_start3A_8 = tpu.memref_slice %arg7[%dma_start3A_7] : memref<10000xi32, #tpu.memory_space<vmem>> -> memref<80xi32, #tpu.memory_space<vmem>>
    %dma_start3A_9 = arith.constant 0 : i32
    %dma_start3A_10 = arith.constant 0 : i32
    %dma_start3A_11 = tpu.memref_slice %arg2[%dma_start3A_9, %dma_start3A_10] : memref<10000x128xf32, #tpu.memory_space<hbm>> -> memref<10000x128xf32, #tpu.memory_space<hbm>>
    tpu.enqueue_indirect_dma source(%dma_start3A_11 : memref<10000x128xf32, #tpu.memory_space<hbm>>) target(%arg10 : memref<80x128xf32, #tpu.memory_space<vmem>>) offsets(%dma_start3A_8 : memref<80xi32, #tpu.memory_space<vmem>>) semaphore(%arg13 : memref<!tpu.dma_semaphore, #tpu.memory_space<semaphore_mem>>)
    %mul3A_12 = arith.constant 640 : i32
    %mul3A_13 = arith.muli %arg1, %mul3A_12 : i32
    "tpu.region"() ({
      %run_scoped3A_29 = tpu.sem_alloc : memref<!tpu.dma_semaphore, #tpu.memory_space<semaphore_mem>>
      %dma_start3A_30 = arith.constant 0 : i32
      %dma_start3A_31 = tpu.memref_slice %arg11[%mul3A_13, %dma_start3A_30] : memref<10240x128xf32, #tpu.memory_space<vmem_shared>> -> memref<640x128xf32, #tpu.memory_space<vmem_shared>>
      tpu.enqueue_dma source(%arg5 : memref<640x128xf32, #tpu.memory_space<hbm>>) target(%dma_start3A_31 : memref<640x128xf32, #tpu.memory_space<vmem_shared>>) target_semaphore(%run_scoped3A_29 : memref<!tpu.dma_semaphore, #tpu.memory_space<semaphore_mem>>)
      %dma_wait3A_32 = arith.constant 0 : i32
      %dma_wait3A_33 = tpu.memref_slice %arg11[%mul3A_13, %dma_wait3A_32] : memref<10240x128xf32, #tpu.memory_space<vmem_shared>> -> memref<640x128xf32, #tpu.memory_space<vmem_shared>>
      tpu.wait_dma2 semaphore(%run_scoped3A_29 : memref<!tpu.dma_semaphore, #tpu.memory_space<semaphore_mem>>) src(%arg5 : memref<640x128xf32, #tpu.memory_space<hbm>>) dst(%dma_wait3A_33 : memref<640x128xf32, #tpu.memory_space<vmem_shared>>)
      tpu.yield
    }) : () -> ()
    %barrier3A = arith.constant 0 : index
    tpu.barrier barrier_id(%barrier3A)
    %scan3A = arith.constant 0 : i32
    %scan3A_14 = arith.constant 0 : i32
    %scan3A_15 = arith.constant 62 : i32
    %scan3A_16 = arith.addi %scan3A_14, %scan3A_15 : i32
    %scan3A_17 = arith.constant 1 : i32
    %scan3A_18 = scf.for %scan3A_29 = %scan3A_14 to %scan3A_16 step %scan3A_17 iter_args(%scan3A_30 = %scan3A) -> (i32)  : i32 {
      %mul3A_31 = arith.constant 2 : i32
      %mul3A_32 = arith.muli %mul3A_31, %scan3A_29 : i32
      %dma_wait3A_33 = arith.constant 0 : i32
      %dma_wait3A_34 = tpu.memref_slice %arg7[%dma_wait3A_33] : memref<10000xi32, #tpu.memory_space<vmem>> -> memref<80xi32, #tpu.memory_space<vmem>>
      %dma_wait3A_35 = arith.constant 0 : i32
      %dma_wait3A_36 = arith.constant 0 : i32
      %dma_wait3A_37 = tpu.memref_slice %arg2[%dma_wait3A_35, %dma_wait3A_36] : memref<10000x128xf32, #tpu.memory_space<hbm>> -> memref<10000x128xf32, #tpu.memory_space<hbm>>
      tpu.wait_indirect_dma semaphore(%arg12 : memref<!tpu.dma_semaphore, #tpu.memory_space<semaphore_mem>>) src(%dma_wait3A_37 : memref<10000x128xf32, #tpu.memory_space<hbm>>) dst(%arg9 : memref<80x128xf32, #tpu.memory_space<vmem>>)
      "tpu.region"() ({
        %run_scoped3A_59 = tpu.sem_alloc : memref<!tpu.dma_semaphore, #tpu.memory_space<semaphore_mem>>
        %dma_start3A_60 = arith.constant 0 : i32
        %dma_start3A_61 = tpu.memref_slice %arg8[%mul3A_32, %dma_start3A_60] : memref<125x80xi32, #tpu.memory_space<vmem>> -> memref<1x80xi32, #tpu.memory_space<vmem>>
        %dma_start3A_62 = tpu.memref_squeeze %dma_start3A_61 : memref<1x80xi32, #tpu.memory_space<vmem>> -> memref<80xi32, #tpu.memory_space<vmem>>
        %dma_start3A_63 = arith.constant 0 : i32
        %dma_start3A_64 = arith.constant 0 : i32
        %dma_start3A_65 = tpu.memref_slice %arg11[%dma_start3A_63, %dma_start3A_64] : memref<10240x128xf32, #tpu.memory_space<vmem_shared>> -> memref<10240x128xf32, #tpu.memory_space<vmem_shared>>
        tpu.enqueue_indirect_dma source(%arg9 : memref<80x128xf32, #tpu.memory_space<vmem>>) target(%dma_start3A_65 : memref<10240x128xf32, #tpu.memory_space<vmem_shared>>) offsets(%dma_start3A_62 : memref<80xi32, #tpu.memory_space<vmem>>) semaphore(%run_scoped3A_59 : memref<!tpu.dma_semaphore, #tpu.memory_space<semaphore_mem>>) {add = true}
        %dma_wait3A_66 = arith.constant 0 : i32
        %dma_wait3A_67 = tpu.memref_slice %arg8[%mul3A_32, %dma_wait3A_66] : memref<125x80xi32, #tpu.memory_space<vmem>> -> memref<1x80xi32, #tpu.memory_space<vmem>>
        %dma_wait3A_68 = tpu.memref_squeeze %dma_wait3A_67 : memref<1x80xi32, #tpu.memory_space<vmem>> -> memref<80xi32, #tpu.memory_space<vmem>>
        %dma_wait3A_69 = arith.constant 0 : i32
        %dma_wait3A_70 = arith.constant 0 : i32
        %dma_wait3A_71 = tpu.memref_slice %arg11[%dma_wait3A_69, %dma_wait3A_70] : memref<10240x128xf32, #tpu.memory_space<vmem_shared>> -> memref<10240x128xf32, #tpu.memory_space<vmem_shared>>
        tpu.wait_indirect_dma semaphore(%run_scoped3A_59 : memref<!tpu.dma_semaphore, #tpu.memory_space<semaphore_mem>>) src(%arg9 : memref<80x128xf32, #tpu.memory_space<vmem>>) dst(%dma_wait3A_71 : memref<10240x128xf32, #tpu.memory_space<vmem_shared>>)
        tpu.yield
      }) : () -> ()
      %add3A_38 = arith.constant 2 : i32
      %add3A_39 = arith.addi %mul3A_32, %add3A_38 : i32
      %lt3A = arith.constant 125 : i32
      %lt3A_40 = arith.cmpi slt, %add3A_39, %lt3A : i32
      %convert_element_type3A = arith.extui %lt3A_40 : i1 to i32
      %cond3A = arith.constant 0 : i32
      %cond3A_41 = arith.cmpi ne, %convert_element_type3A, %cond3A : i32
      scf.if %cond3A_41 {
        %add3A_59 = arith.constant 2 : i32
        %add3A_60 = arith.addi %mul3A_32, %add3A_59 : i32
        %mul3A_61 = arith.constant 80 : i32
        %mul3A_62 = arith.muli %add3A_60, %mul3A_61 : i32
        %dma_start3A_63 = tpu.memref_slice %arg7[%mul3A_62] : memref<10000xi32, #tpu.memory_space<vmem>> -> memref<80xi32, #tpu.memory_space<vmem>>
        %dma_start3A_64 = arith.constant 0 : i32
        %dma_start3A_65 = arith.constant 0 : i32
        %dma_start3A_66 = tpu.memref_slice %arg2[%dma_start3A_64, %dma_start3A_65] : memref<10000x128xf32, #tpu.memory_space<hbm>> -> memref<10000x128xf32, #tpu.memory_space<hbm>>
        tpu.enqueue_indirect_dma source(%dma_start3A_66 : memref<10000x128xf32, #tpu.memory_space<hbm>>) target(%arg9 : memref<80x128xf32, #tpu.memory_space<vmem>>) offsets(%dma_start3A_63 : memref<80xi32, #tpu.memory_space<vmem>>) semaphore(%arg12 : memref<!tpu.dma_semaphore, #tpu.memory_space<semaphore_mem>>)
      } else {
      }
      %mul3A_42 = arith.constant 2 : i32
      %mul3A_43 = arith.muli %mul3A_42, %scan3A_29 : i32
      %add3A_44 = arith.constant 1 : i32
      %add3A_45 = arith.addi %mul3A_43, %add3A_44 : i32
      %dma_wait3A_46 = arith.constant 0 : i32
      %dma_wait3A_47 = tpu.memref_slice %arg7[%dma_wait3A_46] : memref<10000xi32, #tpu.memory_space<vmem>> -> memref<80xi32, #tpu.memory_space<vmem>>
      %dma_wait3A_48 = arith.constant 0 : i32
      %dma_wait3A_49 = arith.constant 0 : i32
      %dma_wait3A_50 = tpu.memref_slice %arg2[%dma_wait3A_48, %dma_wait3A_49] : memref<10000x128xf32, #tpu.memory_space<hbm>> -> memref<10000x128xf32, #tpu.memory_space<hbm>>
      tpu.wait_indirect_dma semaphore(%arg13 : memref<!tpu.dma_semaphore, #tpu.memory_space<semaphore_mem>>) src(%dma_wait3A_50 : memref<10000x128xf32, #tpu.memory_space<hbm>>) dst(%arg10 : memref<80x128xf32, #tpu.memory_space<vmem>>)
      "tpu.region"() ({
        %run_scoped3A_59 = tpu.sem_alloc : memref<!tpu.dma_semaphore, #tpu.memory_space<semaphore_mem>>
        %dma_start3A_60 = arith.constant 0 : i32
        %dma_start3A_61 = tpu.memref_slice %arg8[%add3A_45, %dma_start3A_60] : memref<125x80xi32, #tpu.memory_space<vmem>> -> memref<1x80xi32, #tpu.memory_space<vmem>>
        %dma_start3A_62 = tpu.memref_squeeze %dma_start3A_61 : memref<1x80xi32, #tpu.memory_space<vmem>> -> memref<80xi32, #tpu.memory_space<vmem>>
        %dma_start3A_63 = arith.constant 0 : i32
        %dma_start3A_64 = arith.constant 0 : i32
        %dma_start3A_65 = tpu.memref_slice %arg11[%dma_start3A_63, %dma_start3A_64] : memref<10240x128xf32, #tpu.memory_space<vmem_shared>> -> memref<10240x128xf32, #tpu.memory_space<vmem_shared>>
        tpu.enqueue_indirect_dma source(%arg10 : memref<80x128xf32, #tpu.memory_space<vmem>>) target(%dma_start3A_65 : memref<10240x128xf32, #tpu.memory_space<vmem_shared>>) offsets(%dma_start3A_62 : memref<80xi32, #tpu.memory_space<vmem>>) semaphore(%run_scoped3A_59 : memref<!tpu.dma_semaphore, #tpu.memory_space<semaphore_mem>>) {add = true}
        %dma_wait3A_66 = arith.constant 0 : i32
        %dma_wait3A_67 = tpu.memref_slice %arg8[%add3A_45, %dma_wait3A_66] : memref<125x80xi32, #tpu.memory_space<vmem>> -> memref<1x80xi32, #tpu.memory_space<vmem>>
        %dma_wait3A_68 = tpu.memref_squeeze %dma_wait3A_67 : memref<1x80xi32, #tpu.memory_space<vmem>> -> memref<80xi32, #tpu.memory_space<vmem>>
        %dma_wait3A_69 = arith.constant 0 : i32
        %dma_wait3A_70 = arith.constant 0 : i32
        %dma_wait3A_71 = tpu.memref_slice %arg11[%dma_wait3A_69, %dma_wait3A_70] : memref<10240x128xf32, #tpu.memory_space<vmem_shared>> -> memref<10240x128xf32, #tpu.memory_space<vmem_shared>>
        tpu.wait_indirect_dma semaphore(%run_scoped3A_59 : memref<!tpu.dma_semaphore, #tpu.memory_space<semaphore_mem>>) src(%arg10 : memref<80x128xf32, #tpu.memory_space<vmem>>) dst(%dma_wait3A_71 : memref<10240x128xf32, #tpu.memory_space<vmem_shared>>)
        tpu.yield
      }) : () -> ()
      %add3A_51 = arith.constant 2 : i32
      %add3A_52 = arith.addi %add3A_45, %add3A_51 : i32
      %lt3A_53 = arith.constant 125 : i32
      %lt3A_54 = arith.cmpi slt, %add3A_52, %lt3A_53 : i32
      %convert_element_type3A_55 = arith.extui %lt3A_54 : i1 to i32
      %cond3A_56 = arith.constant 0 : i32
      %cond3A_57 = arith.cmpi ne, %convert_element_type3A_55, %cond3A_56 : i32
      scf.if %cond3A_57 {
        %add3A_59 = arith.constant 2 : i32
        %add3A_60 = arith.addi %add3A_45, %add3A_59 : i32
        %mul3A_61 = arith.constant 80 : i32
        %mul3A_62 = arith.muli %add3A_60, %mul3A_61 : i32
        %dma_start3A_63 = tpu.memref_slice %arg7[%mul3A_62] : memref<10000xi32, #tpu.memory_space<vmem>> -> memref<80xi32, #tpu.memory_space<vmem>>
        %dma_start3A_64 = arith.constant 0 : i32
        %dma_start3A_65 = arith.constant 0 : i32
        %dma_start3A_66 = tpu.memref_slice %arg2[%dma_start3A_64, %dma_start3A_65] : memref<10000x128xf32, #tpu.memory_space<hbm>> -> memref<10000x128xf32, #tpu.memory_space<hbm>>
        tpu.enqueue_indirect_dma source(%dma_start3A_66 : memref<10000x128xf32, #tpu.memory_space<hbm>>) target(%arg10 : memref<80x128xf32, #tpu.memory_space<vmem>>) offsets(%dma_start3A_63 : memref<80xi32, #tpu.memory_space<vmem>>) semaphore(%arg13 : memref<!tpu.dma_semaphore, #tpu.memory_space<semaphore_mem>>)
      } else {
      }
      %scan3A_58 = arith.constant 0 : i32
      scf.yield %scan3A_58 : i32
    }
    %scan3A_19 = arith.constant 62 : i32
    %dma_wait3A = arith.constant 0 : i32
    %dma_wait3A_20 = tpu.memref_slice %arg7[%dma_wait3A] : memref<10000xi32, #tpu.memory_space<vmem>> -> memref<80xi32, #tpu.memory_space<vmem>>
    %dma_wait3A_21 = arith.constant 0 : i32
    %dma_wait3A_22 = arith.constant 0 : i32
    %dma_wait3A_23 = tpu.memref_slice %arg2[%dma_wait3A_21, %dma_wait3A_22] : memref<10000x128xf32, #tpu.memory_space<hbm>> -> memref<10000x128xf32, #tpu.memory_space<hbm>>
    tpu.wait_indirect_dma semaphore(%arg12 : memref<!tpu.dma_semaphore, #tpu.memory_space<semaphore_mem>>) src(%dma_wait3A_23 : memref<10000x128xf32, #tpu.memory_space<hbm>>) dst(%arg9 : memref<80x128xf32, #tpu.memory_space<vmem>>)
    %run_scoped3A = arith.constant 124 : i32
    "tpu.region"() ({
      %run_scoped3A_29 = tpu.sem_alloc : memref<!tpu.dma_semaphore, #tpu.memory_space<semaphore_mem>>
      %dma_start3A_30 = arith.constant 0 : i32
      %dma_start3A_31 = tpu.memref_slice %arg8[%run_scoped3A, %dma_start3A_30] : memref<125x80xi32, #tpu.memory_space<vmem>> -> memref<1x80xi32, #tpu.memory_space<vmem>>
      %dma_start3A_32 = tpu.memref_squeeze %dma_start3A_31 : memref<1x80xi32, #tpu.memory_space<vmem>> -> memref<80xi32, #tpu.memory_space<vmem>>
      %dma_start3A_33 = arith.constant 0 : i32
      %dma_start3A_34 = arith.constant 0 : i32
      %dma_start3A_35 = tpu.memref_slice %arg11[%dma_start3A_33, %dma_start3A_34] : memref<10240x128xf32, #tpu.memory_space<vmem_shared>> -> memref<10240x128xf32, #tpu.memory_space<vmem_shared>>
      tpu.enqueue_indirect_dma source(%arg9 : memref<80x128xf32, #tpu.memory_space<vmem>>) target(%dma_start3A_35 : memref<10240x128xf32, #tpu.memory_space<vmem_shared>>) offsets(%dma_start3A_32 : memref<80xi32, #tpu.memory_space<vmem>>) semaphore(%run_scoped3A_29 : memref<!tpu.dma_semaphore, #tpu.memory_space<semaphore_mem>>) {add = true}
      %dma_wait3A_36 = arith.constant 0 : i32
      %dma_wait3A_37 = tpu.memref_slice %arg8[%run_scoped3A, %dma_wait3A_36] : memref<125x80xi32, #tpu.memory_space<vmem>> -> memref<1x80xi32, #tpu.memory_space<vmem>>
      %dma_wait3A_38 = tpu.memref_squeeze %dma_wait3A_37 : memref<1x80xi32, #tpu.memory_space<vmem>> -> memref<80xi32, #tpu.memory_space<vmem>>
      %dma_wait3A_39 = arith.constant 0 : i32
      %dma_wait3A_40 = arith.constant 0 : i32
      %dma_wait3A_41 = tpu.memref_slice %arg11[%dma_wait3A_39, %dma_wait3A_40] : memref<10240x128xf32, #tpu.memory_space<vmem_shared>> -> memref<10240x128xf32, #tpu.memory_space<vmem_shared>>
      tpu.wait_indirect_dma semaphore(%run_scoped3A_29 : memref<!tpu.dma_semaphore, #tpu.memory_space<semaphore_mem>>) src(%arg9 : memref<80x128xf32, #tpu.memory_space<vmem>>) dst(%dma_wait3A_41 : memref<10240x128xf32, #tpu.memory_space<vmem_shared>>)
      tpu.yield
    }) : () -> ()
    %barrier3A_24 = arith.constant 0 : index
    tpu.barrier barrier_id(%barrier3A_24)
    %mul3A_25 = arith.constant 640 : i32
    %mul3A_26 = arith.muli %arg1, %mul3A_25 : i32
    %mul3A_27 = arith.constant 640 : i32
    %mul3A_28 = arith.muli %arg1, %mul3A_27 : i32
    "tpu.region"() ({
      %run_scoped3A_29 = tpu.sem_alloc : memref<!tpu.dma_semaphore, #tpu.memory_space<semaphore_mem>>
      %dma_start3A_30 = arith.constant 0 : i32
      %dma_start3A_31 = tpu.memref_slice %arg6[%arg0, %mul3A_28, %dma_start3A_30] : memref<2x10240x128xf32, #tpu.memory_space<hbm>> -> memref<1x640x128xf32, #tpu.memory_space<hbm>>
      %dma_start3A_32 = tpu.memref_squeeze %dma_start3A_31 : memref<1x640x128xf32, #tpu.memory_space<hbm>> -> memref<640x128xf32, #tpu.memory_space<hbm>>
      %dma_start3A_33 = arith.constant 0 : i32
      %dma_start3A_34 = tpu.memref_slice %arg11[%mul3A_26, %dma_start3A_33] : memref<10240x128xf32, #tpu.memory_space<vmem_shared>> -> memref<640x128xf32, #tpu.memory_space<vmem_shared>>
      tpu.enqueue_dma source(%dma_start3A_34 : memref<640x128xf32, #tpu.memory_space<vmem_shared>>) target(%dma_start3A_32 : memref<640x128xf32, #tpu.memory_space<hbm>>) target_semaphore(%run_scoped3A_29 : memref<!tpu.dma_semaphore, #tpu.memory_space<semaphore_mem>>)
      %dma_wait3A_35 = arith.constant 0 : i32
      %dma_wait3A_36 = tpu.memref_slice %arg6[%arg0, %mul3A_28, %dma_wait3A_35] : memref<2x10240x128xf32, #tpu.memory_space<hbm>> -> memref<1x640x128xf32, #tpu.memory_space<hbm>>
      %dma_wait3A_37 = tpu.memref_squeeze %dma_wait3A_36 : memref<1x640x128xf32, #tpu.memory_space<hbm>> -> memref<640x128xf32, #tpu.memory_space<hbm>>
      %dma_wait3A_38 = arith.constant 0 : i32
      %dma_wait3A_39 = tpu.memref_slice %arg11[%mul3A_26, %dma_wait3A_38] : memref<10240x128xf32, #tpu.memory_space<vmem_shared>> -> memref<640x128xf32, #tpu.memory_space<vmem_shared>>
      tpu.wait_dma2 semaphore(%run_scoped3A_29 : memref<!tpu.dma_semaphore, #tpu.memory_space<semaphore_mem>>) src(%dma_wait3A_39 : memref<640x128xf32, #tpu.memory_space<vmem_shared>>) dst(%dma_wait3A_37 : memref<640x128xf32, #tpu.memory_space<hbm>>)
      tpu.yield
    }) : () -> ()
    return
  }
}

#map = affine_map<(d0, d1) -> (0, 0)>
#map1 = affine_map<(d0, d1) -> (0)>
#map2 = affine_map<(d0, d1) -> (0, 0, 0)>
module attributes {stable_mosaic.version = 14 : i64} {
  func.func @agg_kernel(%arg0: i32, %arg1: i32, %arg2: memref<10000x128xf32, #tpu.memory_space<hbm>>, %arg3: memref<320000xi32, #tpu.memory_space<hbm>>, %arg4: memref<32x125x80xi32, #tpu.memory_space<hbm>>, %arg5: memref<640x128xf32, #tpu.memory_space<hbm>>, %arg6: memref<2x10240x128xf32, #tpu.memory_space<hbm>>, %arg7: memref<10000xi32, #tpu.memory_space<vmem>>, %arg8: memref<125x80xi32, #tpu.memory_space<vmem>>, %arg9: memref<80x128xf32, #tpu.memory_space<vmem>>, %arg10: memref<80x128xf32, #tpu.memory_space<vmem>>, %arg11: memref<10240x128xf32, #tpu.memory_space<vmem_shared>>, %arg12: memref<!tpu.dma_semaphore, #tpu.memory_space<semaphore_mem>>, %arg13: memref<!tpu.dma_semaphore, #tpu.memory_space<semaphore_mem>>) attributes {dimension_semantics = [#tpu.dimension_semantics<core_parallel>, #tpu.dimension_semantics<subcore_parallel>], iteration_bounds = array<i64: 2, 16>, scalar_prefetch = 0 : i64, scratch_operands = 7 : i64, tpu.core_type = #tpu.core_type<sc_vector_subcore>, window_params = [{transform_indices = #map}, {transform_indices = #map1}, {transform_indices = #map2}, {transform_indices = #map}, {transform_indices = #map2}]} {
    %mul3A = arith.constant 16 : i32
    %mul3A_0 = arith.muli %arg0, %mul3A : i32
    %add3A = arith.addi %mul3A_0, %arg1 : i32
    %mul3A_1 = arith.constant 10000 : i32
    %mul3A_2 = arith.muli %add3A, %mul3A_1 : i32
    "tpu.region"() ({
      %run_scoped3A_29 = tpu.sem_alloc : memref<!tpu.dma_semaphore, #tpu.memory_space<semaphore_mem>>
      %dma_start3A_30 = tpu.memref_slice %arg3[%mul3A_2] : memref<320000xi32, #tpu.memory_space<hbm>> -> memref<10000xi32, #tpu.memory_space<hbm>>
      %dma_start3A_31 = tpu.memref_slice %arg3[%mul3A_2] : memref<320000xi32, #tpu.memory_space<hbm>> -> memref<10000xi32, #tpu.memory_space<hbm>>
      tpu.enqueue_dma source(%dma_start3A_31 : memref<10000xi32, #tpu.memory_space<hbm>>) target(%arg7 : memref<10000xi32, #tpu.memory_space<vmem>>) target_semaphore(%run_scoped3A_29 : memref<!tpu.dma_semaphore, #tpu.memory_space<semaphore_mem>>)
      %dma_wait3A_32 = tpu.memref_slice %arg3[%mul3A_2] : memref<320000xi32, #tpu.memory_space<hbm>> -> memref<10000xi32, #tpu.memory_space<hbm>>
      %dma_wait3A_33 = tpu.memref_slice %arg3[%mul3A_2] : memref<320000xi32, #tpu.memory_space<hbm>> -> memref<10000xi32, #tpu.memory_space<hbm>>
      tpu.wait_dma2 semaphore(%run_scoped3A_29 : memref<!tpu.dma_semaphore, #tpu.memory_space<semaphore_mem>>) src(%dma_wait3A_33 : memref<10000xi32, #tpu.memory_space<hbm>>) dst(%arg7 : memref<10000xi32, #tpu.memory_space<vmem>>)
      tpu.yield
    }) : () -> ()
    "tpu.region"() ({
      %run_scoped3A_29 = tpu.sem_alloc : memref<!tpu.dma_semaphore, #tpu.memory_space<semaphore_mem>>
      %dma_start3A_30 = arith.constant 0 : i32
      %dma_start3A_31 = arith.constant 0 : i32
      %dma_start3A_32 = tpu.memref_slice %arg4[%add3A, %dma_start3A_30, %dma_start3A_31] : memref<32x125x80xi32, #tpu.memory_space<hbm>> -> memref<1x125x80xi32, #tpu.memory_space<hbm>>
      %dma_start3A_33 = tpu.memref_squeeze %dma_start3A_32 : memref<1x125x80xi32, #tpu.memory_space<hbm>> -> memref<125x80xi32, #tpu.memory_space<hbm>>
      %dma_start3A_34 = arith.constant 0 : i32
      %dma_start3A_35 = arith.constant 0 : i32
      %dma_start3A_36 = tpu.memref_slice %arg4[%add3A, %dma_start3A_34, %dma_start3A_35] : memref<32x125x80xi32, #tpu.memory_space<hbm>> -> memref<1x125x80xi32, #tpu.memory_space<hbm>>
      %dma_start3A_37 = tpu.memref_squeeze %dma_start3A_36 : memref<1x125x80xi32, #tpu.memory_space<hbm>> -> memref<125x80xi32, #tpu.memory_space<hbm>>
      tpu.enqueue_dma source(%dma_start3A_37 : memref<125x80xi32, #tpu.memory_space<hbm>>) target(%arg8 : memref<125x80xi32, #tpu.memory_space<vmem>>) target_semaphore(%run_scoped3A_29 : memref<!tpu.dma_semaphore, #tpu.memory_space<semaphore_mem>>)
      %dma_wait3A_38 = arith.constant 0 : i32
      %dma_wait3A_39 = arith.constant 0 : i32
      %dma_wait3A_40 = tpu.memref_slice %arg4[%add3A, %dma_wait3A_38, %dma_wait3A_39] : memref<32x125x80xi32, #tpu.memory_space<hbm>> -> memref<1x125x80xi32, #tpu.memory_space<hbm>>
      %dma_wait3A_41 = tpu.memref_squeeze %dma_wait3A_40 : memref<1x125x80xi32, #tpu.memory_space<hbm>> -> memref<125x80xi32, #tpu.memory_space<hbm>>
      %dma_wait3A_42 = arith.constant 0 : i32
      %dma_wait3A_43 = arith.constant 0 : i32
      %dma_wait3A_44 = tpu.memref_slice %arg4[%add3A, %dma_wait3A_42, %dma_wait3A_43] : memref<32x125x80xi32, #tpu.memory_space<hbm>> -> memref<1x125x80xi32, #tpu.memory_space<hbm>>
      %dma_wait3A_45 = tpu.memref_squeeze %dma_wait3A_44 : memref<1x125x80xi32, #tpu.memory_space<hbm>> -> memref<125x80xi32, #tpu.memory_space<hbm>>
      tpu.wait_dma2 semaphore(%run_scoped3A_29 : memref<!tpu.dma_semaphore, #tpu.memory_space<semaphore_mem>>) src(%dma_wait3A_45 : memref<125x80xi32, #tpu.memory_space<hbm>>) dst(%arg8 : memref<125x80xi32, #tpu.memory_space<vmem>>)
      tpu.yield
    }) : () -> ()
    %dma_start3A = arith.constant 0 : i32
    %dma_start3A_3 = tpu.memref_slice %arg7[%dma_start3A] : memref<10000xi32, #tpu.memory_space<vmem>> -> memref<80xi32, #tpu.memory_space<vmem>>
    %dma_start3A_4 = arith.constant 0 : i32
    %dma_start3A_5 = arith.constant 0 : i32
    %dma_start3A_6 = tpu.memref_slice %arg2[%dma_start3A_4, %dma_start3A_5] : memref<10000x128xf32, #tpu.memory_space<hbm>> -> memref<10000x128xf32, #tpu.memory_space<hbm>>
    tpu.enqueue_indirect_dma source(%dma_start3A_6 : memref<10000x128xf32, #tpu.memory_space<hbm>>) target(%arg9 : memref<80x128xf32, #tpu.memory_space<vmem>>) offsets(%dma_start3A_3 : memref<80xi32, #tpu.memory_space<vmem>>) semaphore(%arg12 : memref<!tpu.dma_semaphore, #tpu.memory_space<semaphore_mem>>)
    %dma_start3A_7 = arith.constant 80 : i32
    %dma_start3A_8 = tpu.memref_slice %arg7[%dma_start3A_7] : memref<10000xi32, #tpu.memory_space<vmem>> -> memref<80xi32, #tpu.memory_space<vmem>>
    %dma_start3A_9 = arith.constant 0 : i32
    %dma_start3A_10 = arith.constant 0 : i32
    %dma_start3A_11 = tpu.memref_slice %arg2[%dma_start3A_9, %dma_start3A_10] : memref<10000x128xf32, #tpu.memory_space<hbm>> -> memref<10000x128xf32, #tpu.memory_space<hbm>>
    tpu.enqueue_indirect_dma source(%dma_start3A_11 : memref<10000x128xf32, #tpu.memory_space<hbm>>) target(%arg10 : memref<80x128xf32, #tpu.memory_space<vmem>>) offsets(%dma_start3A_8 : memref<80xi32, #tpu.memory_space<vmem>>) semaphore(%arg13 : memref<!tpu.dma_semaphore, #tpu.memory_space<semaphore_mem>>)
    %mul3A_12 = arith.constant 640 : i32
    %mul3A_13 = arith.muli %arg1, %mul3A_12 : i32
    "tpu.region"() ({
      %run_scoped3A_29 = tpu.sem_alloc : memref<!tpu.dma_semaphore, #tpu.memory_space<semaphore_mem>>
      %dma_start3A_30 = arith.constant 0 : i32
      %dma_start3A_31 = tpu.memref_slice %arg11[%mul3A_13, %dma_start3A_30] : memref<10240x128xf32, #tpu.memory_space<vmem_shared>> -> memref<640x128xf32, #tpu.memory_space<vmem_shared>>
      tpu.enqueue_dma source(%arg5 : memref<640x128xf32, #tpu.memory_space<hbm>>) target(%dma_start3A_31 : memref<640x128xf32, #tpu.memory_space<vmem_shared>>) target_semaphore(%run_scoped3A_29 : memref<!tpu.dma_semaphore, #tpu.memory_space<semaphore_mem>>)
      %dma_wait3A_32 = arith.constant 0 : i32
      %dma_wait3A_33 = tpu.memref_slice %arg11[%mul3A_13, %dma_wait3A_32] : memref<10240x128xf32, #tpu.memory_space<vmem_shared>> -> memref<640x128xf32, #tpu.memory_space<vmem_shared>>
      tpu.wait_dma2 semaphore(%run_scoped3A_29 : memref<!tpu.dma_semaphore, #tpu.memory_space<semaphore_mem>>) src(%arg5 : memref<640x128xf32, #tpu.memory_space<hbm>>) dst(%dma_wait3A_33 : memref<640x128xf32, #tpu.memory_space<vmem_shared>>)
      tpu.yield
    }) : () -> ()
    %barrier3A = arith.constant 0 : index
    tpu.barrier barrier_id(%barrier3A)
    %scan3A = arith.constant 0 : i32
    %scan3A_14 = arith.constant 0 : i32
    %scan3A_15 = arith.constant 62 : i32
    %scan3A_16 = arith.addi %scan3A_14, %scan3A_15 : i32
    %scan3A_17 = arith.constant 1 : i32
    %scan3A_18 = scf.for %scan3A_29 = %scan3A_14 to %scan3A_16 step %scan3A_17 iter_args(%scan3A_30 = %scan3A) -> (i32)  : i32 {
      %mul3A_31 = arith.constant 2 : i32
      %mul3A_32 = arith.muli %mul3A_31, %scan3A_29 : i32
      %dma_wait3A_33 = arith.constant 0 : i32
      %dma_wait3A_34 = tpu.memref_slice %arg7[%dma_wait3A_33] : memref<10000xi32, #tpu.memory_space<vmem>> -> memref<80xi32, #tpu.memory_space<vmem>>
      %dma_wait3A_35 = arith.constant 0 : i32
      %dma_wait3A_36 = arith.constant 0 : i32
      %dma_wait3A_37 = tpu.memref_slice %arg2[%dma_wait3A_35, %dma_wait3A_36] : memref<10000x128xf32, #tpu.memory_space<hbm>> -> memref<10000x128xf32, #tpu.memory_space<hbm>>
      tpu.wait_indirect_dma semaphore(%arg12 : memref<!tpu.dma_semaphore, #tpu.memory_space<semaphore_mem>>) src(%dma_wait3A_37 : memref<10000x128xf32, #tpu.memory_space<hbm>>) dst(%arg9 : memref<80x128xf32, #tpu.memory_space<vmem>>)
      "tpu.region"() ({
        %run_scoped3A_59 = tpu.sem_alloc : memref<!tpu.dma_semaphore, #tpu.memory_space<semaphore_mem>>
        %dma_start3A_60 = arith.constant 0 : i32
        %dma_start3A_61 = tpu.memref_slice %arg8[%mul3A_32, %dma_start3A_60] : memref<125x80xi32, #tpu.memory_space<vmem>> -> memref<1x80xi32, #tpu.memory_space<vmem>>
        %dma_start3A_62 = tpu.memref_squeeze %dma_start3A_61 : memref<1x80xi32, #tpu.memory_space<vmem>> -> memref<80xi32, #tpu.memory_space<vmem>>
        %dma_start3A_63 = arith.constant 0 : i32
        %dma_start3A_64 = arith.constant 0 : i32
        %dma_start3A_65 = tpu.memref_slice %arg11[%dma_start3A_63, %dma_start3A_64] : memref<10240x128xf32, #tpu.memory_space<vmem_shared>> -> memref<10240x128xf32, #tpu.memory_space<vmem_shared>>
        tpu.enqueue_indirect_dma source(%arg9 : memref<80x128xf32, #tpu.memory_space<vmem>>) target(%dma_start3A_65 : memref<10240x128xf32, #tpu.memory_space<vmem_shared>>) offsets(%dma_start3A_62 : memref<80xi32, #tpu.memory_space<vmem>>) semaphore(%run_scoped3A_59 : memref<!tpu.dma_semaphore, #tpu.memory_space<semaphore_mem>>) {add = true}
        %dma_wait3A_66 = arith.constant 0 : i32
        %dma_wait3A_67 = tpu.memref_slice %arg8[%mul3A_32, %dma_wait3A_66] : memref<125x80xi32, #tpu.memory_space<vmem>> -> memref<1x80xi32, #tpu.memory_space<vmem>>
        %dma_wait3A_68 = tpu.memref_squeeze %dma_wait3A_67 : memref<1x80xi32, #tpu.memory_space<vmem>> -> memref<80xi32, #tpu.memory_space<vmem>>
        %dma_wait3A_69 = arith.constant 0 : i32
        %dma_wait3A_70 = arith.constant 0 : i32
        %dma_wait3A_71 = tpu.memref_slice %arg11[%dma_wait3A_69, %dma_wait3A_70] : memref<10240x128xf32, #tpu.memory_space<vmem_shared>> -> memref<10240x128xf32, #tpu.memory_space<vmem_shared>>
        tpu.wait_indirect_dma semaphore(%run_scoped3A_59 : memref<!tpu.dma_semaphore, #tpu.memory_space<semaphore_mem>>) src(%arg9 : memref<80x128xf32, #tpu.memory_space<vmem>>) dst(%dma_wait3A_71 : memref<10240x128xf32, #tpu.memory_space<vmem_shared>>)
        tpu.yield
      }) : () -> ()
      %add3A_38 = arith.constant 2 : i32
      %add3A_39 = arith.addi %mul3A_32, %add3A_38 : i32
      %lt3A = arith.constant 125 : i32
      %lt3A_40 = arith.cmpi slt, %add3A_39, %lt3A : i32
      %convert_element_type3A = arith.extui %lt3A_40 : i1 to i32
      %cond3A = arith.constant 0 : i32
      %cond3A_41 = arith.cmpi ne, %convert_element_type3A, %cond3A : i32
      scf.if %cond3A_41 {
        %add3A_59 = arith.constant 2 : i32
        %add3A_60 = arith.addi %mul3A_32, %add3A_59 : i32
        %mul3A_61 = arith.constant 80 : i32
        %mul3A_62 = arith.muli %add3A_60, %mul3A_61 : i32
        %dma_start3A_63 = tpu.memref_slice %arg7[%mul3A_62] : memref<10000xi32, #tpu.memory_space<vmem>> -> memref<80xi32, #tpu.memory_space<vmem>>
        %dma_start3A_64 = arith.constant 0 : i32
        %dma_start3A_65 = arith.constant 0 : i32
        %dma_start3A_66 = tpu.memref_slice %arg2[%dma_start3A_64, %dma_start3A_65] : memref<10000x128xf32, #tpu.memory_space<hbm>> -> memref<10000x128xf32, #tpu.memory_space<hbm>>
        tpu.enqueue_indirect_dma source(%dma_start3A_66 : memref<10000x128xf32, #tpu.memory_space<hbm>>) target(%arg9 : memref<80x128xf32, #tpu.memory_space<vmem>>) offsets(%dma_start3A_63 : memref<80xi32, #tpu.memory_space<vmem>>) semaphore(%arg12 : memref<!tpu.dma_semaphore, #tpu.memory_space<semaphore_mem>>)
      } else {
      }
      %mul3A_42 = arith.constant 2 : i32
      %mul3A_43 = arith.muli %mul3A_42, %scan3A_29 : i32
      %add3A_44 = arith.constant 1 : i32
      %add3A_45 = arith.addi %mul3A_43, %add3A_44 : i32
      %dma_wait3A_46 = arith.constant 0 : i32
      %dma_wait3A_47 = tpu.memref_slice %arg7[%dma_wait3A_46] : memref<10000xi32, #tpu.memory_space<vmem>> -> memref<80xi32, #tpu.memory_space<vmem>>
      %dma_wait3A_48 = arith.constant 0 : i32
      %dma_wait3A_49 = arith.constant 0 : i32
      %dma_wait3A_50 = tpu.memref_slice %arg2[%dma_wait3A_48, %dma_wait3A_49] : memref<10000x128xf32, #tpu.memory_space<hbm>> -> memref<10000x128xf32, #tpu.memory_space<hbm>>
      tpu.wait_indirect_dma semaphore(%arg13 : memref<!tpu.dma_semaphore, #tpu.memory_space<semaphore_mem>>) src(%dma_wait3A_50 : memref<10000x128xf32, #tpu.memory_space<hbm>>) dst(%arg10 : memref<80x128xf32, #tpu.memory_space<vmem>>)
      "tpu.region"() ({
        %run_scoped3A_59 = tpu.sem_alloc : memref<!tpu.dma_semaphore, #tpu.memory_space<semaphore_mem>>
        %dma_start3A_60 = arith.constant 0 : i32
        %dma_start3A_61 = tpu.memref_slice %arg8[%add3A_45, %dma_start3A_60] : memref<125x80xi32, #tpu.memory_space<vmem>> -> memref<1x80xi32, #tpu.memory_space<vmem>>
        %dma_start3A_62 = tpu.memref_squeeze %dma_start3A_61 : memref<1x80xi32, #tpu.memory_space<vmem>> -> memref<80xi32, #tpu.memory_space<vmem>>
        %dma_start3A_63 = arith.constant 0 : i32
        %dma_start3A_64 = arith.constant 0 : i32
        %dma_start3A_65 = tpu.memref_slice %arg11[%dma_start3A_63, %dma_start3A_64] : memref<10240x128xf32, #tpu.memory_space<vmem_shared>> -> memref<10240x128xf32, #tpu.memory_space<vmem_shared>>
        tpu.enqueue_indirect_dma source(%arg10 : memref<80x128xf32, #tpu.memory_space<vmem>>) target(%dma_start3A_65 : memref<10240x128xf32, #tpu.memory_space<vmem_shared>>) offsets(%dma_start3A_62 : memref<80xi32, #tpu.memory_space<vmem>>) semaphore(%run_scoped3A_59 : memref<!tpu.dma_semaphore, #tpu.memory_space<semaphore_mem>>) {add = true}
        %dma_wait3A_66 = arith.constant 0 : i32
        %dma_wait3A_67 = tpu.memref_slice %arg8[%add3A_45, %dma_wait3A_66] : memref<125x80xi32, #tpu.memory_space<vmem>> -> memref<1x80xi32, #tpu.memory_space<vmem>>
        %dma_wait3A_68 = tpu.memref_squeeze %dma_wait3A_67 : memref<1x80xi32, #tpu.memory_space<vmem>> -> memref<80xi32, #tpu.memory_space<vmem>>
        %dma_wait3A_69 = arith.constant 0 : i32
        %dma_wait3A_70 = arith.constant 0 : i32
        %dma_wait3A_71 = tpu.memref_slice %arg11[%dma_wait3A_69, %dma_wait3A_70] : memref<10240x128xf32, #tpu.memory_space<vmem_shared>> -> memref<10240x128xf32, #tpu.memory_space<vmem_shared>>
        tpu.wait_indirect_dma semaphore(%run_scoped3A_59 : memref<!tpu.dma_semaphore, #tpu.memory_space<semaphore_mem>>) src(%arg10 : memref<80x128xf32, #tpu.memory_space<vmem>>) dst(%dma_wait3A_71 : memref<10240x128xf32, #tpu.memory_space<vmem_shared>>)
        tpu.yield
      }) : () -> ()
      %add3A_51 = arith.constant 2 : i32
      %add3A_52 = arith.addi %add3A_45, %add3A_51 : i32
      %lt3A_53 = arith.constant 125 : i32
      %lt3A_54 = arith.cmpi slt, %add3A_52, %lt3A_53 : i32
      %convert_element_type3A_55 = arith.extui %lt3A_54 : i1 to i32
      %cond3A_56 = arith.constant 0 : i32
      %cond3A_57 = arith.cmpi ne, %convert_element_type3A_55, %cond3A_56 : i32
      scf.if %cond3A_57 {
        %add3A_59 = arith.constant 2 : i32
        %add3A_60 = arith.addi %add3A_45, %add3A_59 : i32
        %mul3A_61 = arith.constant 80 : i32
        %mul3A_62 = arith.muli %add3A_60, %mul3A_61 : i32
        %dma_start3A_63 = tpu.memref_slice %arg7[%mul3A_62] : memref<10000xi32, #tpu.memory_space<vmem>> -> memref<80xi32, #tpu.memory_space<vmem>>
        %dma_start3A_64 = arith.constant 0 : i32
        %dma_start3A_65 = arith.constant 0 : i32
        %dma_start3A_66 = tpu.memref_slice %arg2[%dma_start3A_64, %dma_start3A_65] : memref<10000x128xf32, #tpu.memory_space<hbm>> -> memref<10000x128xf32, #tpu.memory_space<hbm>>
        tpu.enqueue_indirect_dma source(%dma_start3A_66 : memref<10000x128xf32, #tpu.memory_space<hbm>>) target(%arg10 : memref<80x128xf32, #tpu.memory_space<vmem>>) offsets(%dma_start3A_63 : memref<80xi32, #tpu.memory_space<vmem>>) semaphore(%arg13 : memref<!tpu.dma_semaphore, #tpu.memory_space<semaphore_mem>>)
      } else {
      }
      %scan3A_58 = arith.constant 0 : i32
      scf.yield %scan3A_58 : i32
    }
    %scan3A_19 = arith.constant 62 : i32
    %dma_wait3A = arith.constant 0 : i32
    %dma_wait3A_20 = tpu.memref_slice %arg7[%dma_wait3A] : memref<10000xi32, #tpu.memory_space<vmem>> -> memref<80xi32, #tpu.memory_space<vmem>>
    %dma_wait3A_21 = arith.constant 0 : i32
    %dma_wait3A_22 = arith.constant 0 : i32
    %dma_wait3A_23 = tpu.memref_slice %arg2[%dma_wait3A_21, %dma_wait3A_22] : memref<10000x128xf32, #tpu.memory_space<hbm>> -> memref<10000x128xf32, #tpu.memory_space<hbm>>
    tpu.wait_indirect_dma semaphore(%arg12 : memref<!tpu.dma_semaphore, #tpu.memory_space<semaphore_mem>>) src(%dma_wait3A_23 : memref<10000x128xf32, #tpu.memory_space<hbm>>) dst(%arg9 : memref<80x128xf32, #tpu.memory_space<vmem>>)
    %run_scoped3A = arith.constant 124 : i32
    "tpu.region"() ({
      %run_scoped3A_29 = tpu.sem_alloc : memref<!tpu.dma_semaphore, #tpu.memory_space<semaphore_mem>>
      %dma_start3A_30 = arith.constant 0 : i32
      %dma_start3A_31 = tpu.memref_slice %arg8[%run_scoped3A, %dma_start3A_30] : memref<125x80xi32, #tpu.memory_space<vmem>> -> memref<1x80xi32, #tpu.memory_space<vmem>>
      %dma_start3A_32 = tpu.memref_squeeze %dma_start3A_31 : memref<1x80xi32, #tpu.memory_space<vmem>> -> memref<80xi32, #tpu.memory_space<vmem>>
      %dma_start3A_33 = arith.constant 0 : i32
      %dma_start3A_34 = arith.constant 0 : i32
      %dma_start3A_35 = tpu.memref_slice %arg11[%dma_start3A_33, %dma_start3A_34] : memref<10240x128xf32, #tpu.memory_space<vmem_shared>> -> memref<10240x128xf32, #tpu.memory_space<vmem_shared>>
      tpu.enqueue_indirect_dma source(%arg9 : memref<80x128xf32, #tpu.memory_space<vmem>>) target(%dma_start3A_35 : memref<10240x128xf32, #tpu.memory_space<vmem_shared>>) offsets(%dma_start3A_32 : memref<80xi32, #tpu.memory_space<vmem>>) semaphore(%run_scoped3A_29 : memref<!tpu.dma_semaphore, #tpu.memory_space<semaphore_mem>>) {add = true}
      %dma_wait3A_36 = arith.constant 0 : i32
      %dma_wait3A_37 = tpu.memref_slice %arg8[%run_scoped3A, %dma_wait3A_36] : memref<125x80xi32, #tpu.memory_space<vmem>> -> memref<1x80xi32, #tpu.memory_space<vmem>>
      %dma_wait3A_38 = tpu.memref_squeeze %dma_wait3A_37 : memref<1x80xi32, #tpu.memory_space<vmem>> -> memref<80xi32, #tpu.memory_space<vmem>>
      %dma_wait3A_39 = arith.constant 0 : i32
      %dma_wait3A_40 = arith.constant 0 : i32
      %dma_wait3A_41 = tpu.memref_slice %arg11[%dma_wait3A_39, %dma_wait3A_40] : memref<10240x128xf32, #tpu.memory_space<vmem_shared>> -> memref<10240x128xf32, #tpu.memory_space<vmem_shared>>
      tpu.wait_indirect_dma semaphore(%run_scoped3A_29 : memref<!tpu.dma_semaphore, #tpu.memory_space<semaphore_mem>>) src(%arg9 : memref<80x128xf32, #tpu.memory_space<vmem>>) dst(%dma_wait3A_41 : memref<10240x128xf32, #tpu.memory_space<vmem_shared>>)
      tpu.yield
    }) : () -> ()
    %barrier3A_24 = arith.constant 0 : index
    tpu.barrier barrier_id(%barrier3A_24)
    %mul3A_25 = arith.constant 640 : i32
    %mul3A_26 = arith.muli %arg1, %mul3A_25 : i32
    %mul3A_27 = arith.constant 640 : i32
    %mul3A_28 = arith.muli %arg1, %mul3A_27 : i32
    "tpu.region"() ({
      %run_scoped3A_29 = tpu.sem_alloc : memref<!tpu.dma_semaphore, #tpu.memory_space<semaphore_mem>>
      %dma_start3A_30 = arith.constant 0 : i32
      %dma_start3A_31 = tpu.memref_slice %arg6[%arg0, %mul3A_28, %dma_start3A_30] : memref<2x10240x128xf32, #tpu.memory_space<hbm>> -> memref<1x640x128xf32, #tpu.memory_space<hbm>>
      %dma_start3A_32 = tpu.memref_squeeze %dma_start3A_31 : memref<1x640x128xf32, #tpu.memory_space<hbm>> -> memref<640x128xf32, #tpu.memory_space<hbm>>
      %dma_start3A_33 = arith.constant 0 : i32
      %dma_start3A_34 = tpu.memref_slice %arg11[%mul3A_26, %dma_start3A_33] : memref<10240x128xf32, #tpu.memory_space<vmem_shared>> -> memref<640x128xf32, #tpu.memory_space<vmem_shared>>
      tpu.enqueue_dma source(%dma_start3A_34 : memref<640x128xf32, #tpu.memory_space<vmem_shared>>) target(%dma_start3A_32 : memref<640x128xf32, #tpu.memory_space<hbm>>) target_semaphore(%run_scoped3A_29 : memref<!tpu.dma_semaphore, #tpu.memory_space<semaphore_mem>>)
      %dma_wait3A_35 = arith.constant 0 : i32
      %dma_wait3A_36 = tpu.memref_slice %arg6[%arg0, %mul3A_28, %dma_wait3A_35] : memref<2x10240x128xf32, #tpu.memory_space<hbm>> -> memref<1x640x128xf32, #tpu.memory_space<hbm>>
      %dma_wait3A_37 = tpu.memref_squeeze %dma_wait3A_36 : memref<1x640x128xf32, #tpu.memory_space<hbm>> -> memref<640x128xf32, #tpu.memory_space<hbm>>
      %dma_wait3A_38 = arith.constant 0 : i32
      %dma_wait3A_39 = tpu.memref_slice %arg11[%mul3A_26, %dma_wait3A_38] : memref<10240x128xf32, #tpu.memory_space<vmem_shared>> -> memref<640x128xf32, #tpu.memory_space<vmem_shared>>
      tpu.wait_dma2 semaphore(%run_scoped3A_29 : memref<!tpu.dma_semaphore, #tpu.memory_space<semaphore_mem>>) src(%dma_wait3A_39 : memref<640x128xf32, #tpu.memory_space<vmem_shared>>) dst(%dma_wait3A_37 : memref<640x128xf32, #tpu.memory_space<hbm>>)
      tpu.yield
    }) : () -> ()
    return
  }
}

#map = affine_map<(d0, d1) -> (0, 0, 0)>
#map1 = affine_map<(d0, d1) -> (0, 0)>
module attributes {stable_mosaic.version = 14 : i64} {
  func.func @deg_kernel(%arg0: i32, %arg1: i32, %arg2: memref<32x125x80xi32, #tpu.memory_space<hbm>>, %arg3: memref<80x128xf32, #tpu.memory_space<hbm>>, %arg4: memref<640x128xf32, #tpu.memory_space<hbm>>, %arg5: memref<2x10240x128xf32, #tpu.memory_space<hbm>>, %arg6: memref<125x80xi32, #tpu.memory_space<vmem>>, %arg7: memref<80x128xf32, #tpu.memory_space<vmem>>, %arg8: memref<10240x128xf32, #tpu.memory_space<vmem_shared>>) attributes {dimension_semantics = [#tpu.dimension_semantics<core_parallel>, #tpu.dimension_semantics<subcore_parallel>], iteration_bounds = array<i64: 2, 16>, scalar_prefetch = 0 : i64, scratch_operands = 3 : i64, tpu.core_type = #tpu.core_type<sc_vector_subcore>, window_params = [{transform_indices = #map}, {transform_indices = #map1}, {transform_indices = #map1}, {transform_indices = #map}]} {
    %mul3A = arith.constant 16 : i32
    %mul3A_0 = arith.muli %arg0, %mul3A : i32
    %add3A = arith.addi %mul3A_0, %arg1 : i32
    "tpu.region"() ({
      %run_scoped3A = tpu.sem_alloc : memref<!tpu.dma_semaphore, #tpu.memory_space<semaphore_mem>>
      %dma_start3A = arith.constant 0 : i32
      %dma_start3A_14 = arith.constant 0 : i32
      %dma_start3A_15 = tpu.memref_slice %arg2[%add3A, %dma_start3A, %dma_start3A_14] : memref<32x125x80xi32, #tpu.memory_space<hbm>> -> memref<1x125x80xi32, #tpu.memory_space<hbm>>
      %dma_start3A_16 = tpu.memref_squeeze %dma_start3A_15 : memref<1x125x80xi32, #tpu.memory_space<hbm>> -> memref<125x80xi32, #tpu.memory_space<hbm>>
      %dma_start3A_17 = arith.constant 0 : i32
      %dma_start3A_18 = arith.constant 0 : i32
      %dma_start3A_19 = tpu.memref_slice %arg2[%add3A, %dma_start3A_17, %dma_start3A_18] : memref<32x125x80xi32, #tpu.memory_space<hbm>> -> memref<1x125x80xi32, #tpu.memory_space<hbm>>
      %dma_start3A_20 = tpu.memref_squeeze %dma_start3A_19 : memref<1x125x80xi32, #tpu.memory_space<hbm>> -> memref<125x80xi32, #tpu.memory_space<hbm>>
      tpu.enqueue_dma source(%dma_start3A_20 : memref<125x80xi32, #tpu.memory_space<hbm>>) target(%arg6 : memref<125x80xi32, #tpu.memory_space<vmem>>) target_semaphore(%run_scoped3A : memref<!tpu.dma_semaphore, #tpu.memory_space<semaphore_mem>>)
      %dma_wait3A = arith.constant 0 : i32
      %dma_wait3A_21 = arith.constant 0 : i32
      %dma_wait3A_22 = tpu.memref_slice %arg2[%add3A, %dma_wait3A, %dma_wait3A_21] : memref<32x125x80xi32, #tpu.memory_space<hbm>> -> memref<1x125x80xi32, #tpu.memory_space<hbm>>
      %dma_wait3A_23 = tpu.memref_squeeze %dma_wait3A_22 : memref<1x125x80xi32, #tpu.memory_space<hbm>> -> memref<125x80xi32, #tpu.memory_space<hbm>>
      %dma_wait3A_24 = arith.constant 0 : i32
      %dma_wait3A_25 = arith.constant 0 : i32
      %dma_wait3A_26 = tpu.memref_slice %arg2[%add3A, %dma_wait3A_24, %dma_wait3A_25] : memref<32x125x80xi32, #tpu.memory_space<hbm>> -> memref<1x125x80xi32, #tpu.memory_space<hbm>>
      %dma_wait3A_27 = tpu.memref_squeeze %dma_wait3A_26 : memref<1x125x80xi32, #tpu.memory_space<hbm>> -> memref<125x80xi32, #tpu.memory_space<hbm>>
      tpu.wait_dma2 semaphore(%run_scoped3A : memref<!tpu.dma_semaphore, #tpu.memory_space<semaphore_mem>>) src(%dma_wait3A_27 : memref<125x80xi32, #tpu.memory_space<hbm>>) dst(%arg6 : memref<125x80xi32, #tpu.memory_space<vmem>>)
      tpu.yield
    }) : () -> ()
    "tpu.region"() ({
      %run_scoped3A = tpu.sem_alloc : memref<!tpu.dma_semaphore, #tpu.memory_space<semaphore_mem>>
      tpu.enqueue_dma source(%arg3 : memref<80x128xf32, #tpu.memory_space<hbm>>) target(%arg7 : memref<80x128xf32, #tpu.memory_space<vmem>>) target_semaphore(%run_scoped3A : memref<!tpu.dma_semaphore, #tpu.memory_space<semaphore_mem>>)
      tpu.wait_dma2 semaphore(%run_scoped3A : memref<!tpu.dma_semaphore, #tpu.memory_space<semaphore_mem>>) src(%arg3 : memref<80x128xf32, #tpu.memory_space<hbm>>) dst(%arg7 : memref<80x128xf32, #tpu.memory_space<vmem>>)
      tpu.yield
    }) : () -> ()
    %mul3A_1 = arith.constant 640 : i32
    %mul3A_2 = arith.muli %arg1, %mul3A_1 : i32
    "tpu.region"() ({
      %run_scoped3A = tpu.sem_alloc : memref<!tpu.dma_semaphore, #tpu.memory_space<semaphore_mem>>
      %dma_start3A = arith.constant 0 : i32
      %dma_start3A_14 = tpu.memref_slice %arg8[%mul3A_2, %dma_start3A] : memref<10240x128xf32, #tpu.memory_space<vmem_shared>> -> memref<640x128xf32, #tpu.memory_space<vmem_shared>>
      tpu.enqueue_dma source(%arg4 : memref<640x128xf32, #tpu.memory_space<hbm>>) target(%dma_start3A_14 : memref<640x128xf32, #tpu.memory_space<vmem_shared>>) target_semaphore(%run_scoped3A : memref<!tpu.dma_semaphore, #tpu.memory_space<semaphore_mem>>)
      %dma_wait3A = arith.constant 0 : i32
      %dma_wait3A_15 = tpu.memref_slice %arg8[%mul3A_2, %dma_wait3A] : memref<10240x128xf32, #tpu.memory_space<vmem_shared>> -> memref<640x128xf32, #tpu.memory_space<vmem_shared>>
      tpu.wait_dma2 semaphore(%run_scoped3A : memref<!tpu.dma_semaphore, #tpu.memory_space<semaphore_mem>>) src(%arg4 : memref<640x128xf32, #tpu.memory_space<hbm>>) dst(%dma_wait3A_15 : memref<640x128xf32, #tpu.memory_space<vmem_shared>>)
      tpu.yield
    }) : () -> ()
    %barrier3A = arith.constant 0 : index
    tpu.barrier barrier_id(%barrier3A)
    %scan3A = arith.constant 0 : i32
    %scan3A_3 = arith.constant 0 : i32
    %scan3A_4 = arith.constant 125 : i32
    %scan3A_5 = arith.addi %scan3A_3, %scan3A_4 : i32
    %scan3A_6 = arith.constant 1 : i32
    %scan3A_7 = scf.for %scan3A_14 = %scan3A_3 to %scan3A_5 step %scan3A_6 iter_args(%scan3A_15 = %scan3A) -> (i32)  : i32 {
      "tpu.region"() ({
        %run_scoped3A = tpu.sem_alloc : memref<!tpu.dma_semaphore, #tpu.memory_space<semaphore_mem>>
        %dma_start3A = arith.constant 0 : i32
        %dma_start3A_17 = tpu.memref_slice %arg6[%scan3A_14, %dma_start3A] : memref<125x80xi32, #tpu.memory_space<vmem>> -> memref<1x80xi32, #tpu.memory_space<vmem>>
        %dma_start3A_18 = tpu.memref_squeeze %dma_start3A_17 : memref<1x80xi32, #tpu.memory_space<vmem>> -> memref<80xi32, #tpu.memory_space<vmem>>
        %dma_start3A_19 = arith.constant 0 : i32
        %dma_start3A_20 = arith.constant 0 : i32
        %dma_start3A_21 = tpu.memref_slice %arg8[%dma_start3A_19, %dma_start3A_20] : memref<10240x128xf32, #tpu.memory_space<vmem_shared>> -> memref<10240x128xf32, #tpu.memory_space<vmem_shared>>
        tpu.enqueue_indirect_dma source(%arg7 : memref<80x128xf32, #tpu.memory_space<vmem>>) target(%dma_start3A_21 : memref<10240x128xf32, #tpu.memory_space<vmem_shared>>) offsets(%dma_start3A_18 : memref<80xi32, #tpu.memory_space<vmem>>) semaphore(%run_scoped3A : memref<!tpu.dma_semaphore, #tpu.memory_space<semaphore_mem>>) {add = true}
        %dma_wait3A = arith.constant 0 : i32
        %dma_wait3A_22 = tpu.memref_slice %arg6[%scan3A_14, %dma_wait3A] : memref<125x80xi32, #tpu.memory_space<vmem>> -> memref<1x80xi32, #tpu.memory_space<vmem>>
        %dma_wait3A_23 = tpu.memref_squeeze %dma_wait3A_22 : memref<1x80xi32, #tpu.memory_space<vmem>> -> memref<80xi32, #tpu.memory_space<vmem>>
        %dma_wait3A_24 = arith.constant 0 : i32
        %dma_wait3A_25 = arith.constant 0 : i32
        %dma_wait3A_26 = tpu.memref_slice %arg8[%dma_wait3A_24, %dma_wait3A_25] : memref<10240x128xf32, #tpu.memory_space<vmem_shared>> -> memref<10240x128xf32, #tpu.memory_space<vmem_shared>>
        tpu.wait_indirect_dma semaphore(%run_scoped3A : memref<!tpu.dma_semaphore, #tpu.memory_space<semaphore_mem>>) src(%arg7 : memref<80x128xf32, #tpu.memory_space<vmem>>) dst(%dma_wait3A_26 : memref<10240x128xf32, #tpu.memory_space<vmem_shared>>)
        tpu.yield
      }) : () -> ()
      %scan3A_16 = arith.constant 0 : i32
      scf.yield %scan3A_16 : i32
    }
    %scan3A_8 = arith.constant 125 : i32
    %barrier3A_9 = arith.constant 0 : index
    tpu.barrier barrier_id(%barrier3A_9)
    %mul3A_10 = arith.constant 640 : i32
    %mul3A_11 = arith.muli %arg1, %mul3A_10 : i32
    %mul3A_12 = arith.constant 640 : i32
    %mul3A_13 = arith.muli %arg1, %mul3A_12 : i32
    "tpu.region"() ({
      %run_scoped3A = tpu.sem_alloc : memref<!tpu.dma_semaphore, #tpu.memory_space<semaphore_mem>>
      %dma_start3A = arith.constant 0 : i32
      %dma_start3A_14 = tpu.memref_slice %arg5[%arg0, %mul3A_13, %dma_start3A] : memref<2x10240x128xf32, #tpu.memory_space<hbm>> -> memref<1x640x128xf32, #tpu.memory_space<hbm>>
      %dma_start3A_15 = tpu.memref_squeeze %dma_start3A_14 : memref<1x640x128xf32, #tpu.memory_space<hbm>> -> memref<640x128xf32, #tpu.memory_space<hbm>>
      %dma_start3A_16 = arith.constant 0 : i32
      %dma_start3A_17 = tpu.memref_slice %arg8[%mul3A_11, %dma_start3A_16] : memref<10240x128xf32, #tpu.memory_space<vmem_shared>> -> memref<640x128xf32, #tpu.memory_space<vmem_shared>>
      tpu.enqueue_dma source(%dma_start3A_17 : memref<640x128xf32, #tpu.memory_space<vmem_shared>>) target(%dma_start3A_15 : memref<640x128xf32, #tpu.memory_space<hbm>>) target_semaphore(%run_scoped3A : memref<!tpu.dma_semaphore, #tpu.memory_space<semaphore_mem>>)
      %dma_wait3A = arith.constant 0 : i32
      %dma_wait3A_18 = tpu.memref_slice %arg5[%arg0, %mul3A_13, %dma_wait3A] : memref<2x10240x128xf32, #tpu.memory_space<hbm>> -> memref<1x640x128xf32, #tpu.memory_space<hbm>>
      %dma_wait3A_19 = tpu.memref_squeeze %dma_wait3A_18 : memref<1x640x128xf32, #tpu.memory_space<hbm>> -> memref<640x128xf32, #tpu.memory_space<hbm>>
      %dma_wait3A_20 = arith.constant 0 : i32
      %dma_wait3A_21 = tpu.memref_slice %arg8[%mul3A_11, %dma_wait3A_20] : memref<10240x128xf32, #tpu.memory_space<vmem_shared>> -> memref<640x128xf32, #tpu.memory_space<vmem_shared>>
      tpu.wait_dma2 semaphore(%run_scoped3A : memref<!tpu.dma_semaphore, #tpu.memory_space<semaphore_mem>>) src(%dma_wait3A_21 : memref<640x128xf32, #tpu.memory_space<vmem_shared>>) dst(%dma_wait3A_19 : memref<640x128xf32, #tpu.memory_space<hbm>>)
      tpu.yield
    }) : () -> ()
    return
  }
}

module attributes {stable_mosaic.version = 14 : i64} {
  func.func @body(%arg0: i32, %arg1: memref<1000x128xf32, #tpu.memory_space<vmem>>, %arg2: memref<128x128xf32, #tpu.memory_space<vmem>>, %arg3: memref<1000x128xf32, #tpu.memory_space<vmem>>, %arg4: memref<1000x128xf32, #tpu.memory_space<vmem>>, %arg5: memref<1000x128xf32, #tpu.memory_space<vmem>>, %arg6: memref<1000x1xf32, #tpu.memory_space<vmem>>) attributes {dimension_semantics = [#tpu.dimension_semantics<arbitrary>], iteration_bounds = array<i64: 10>, scalar_prefetch = 0 : i64, scratch_operands = 0 : i64, tpu.core_type = #tpu.core_type<tc>, window_params = [{transform_indices = @transform_0, window_bounds = array<i64: 1000, 128>}, {pipeline_mode = #tpu.pipeline_mode<synchronous>, transform_indices = @transform_1, window_bounds = array<i64: 128, 128>}, {transform_indices = @transform_2, window_bounds = array<i64: 1000, 128>}, {transform_indices = @transform_3, window_bounds = array<i64: 1000, 128>}, {transform_indices = @transform_4, window_bounds = array<i64: 1000, 128>}, {transform_indices = @transform_5, window_bounds = array<i64: 1000, 1>}]} {
    %get3A = arith.constant 0 : index
    %get3A_0 = arith.constant 0 : index
    %get3A_1 = vector.load %arg3[%get3A, %get3A_0] : memref<1000x128xf32, #tpu.memory_space<vmem>>, vector<1000x1xf32>
    %get3A_2 = arith.constant 0 : index
    %get3A_3 = arith.constant 0 : index
    %get3A_4 = vector.load %arg4[%get3A_2, %get3A_3] : memref<1000x128xf32, #tpu.memory_space<vmem>>, vector<1000x1xf32>
    %add3A = arith.addf %get3A_1, %get3A_4 : vector<1000x1xf32>
    %add3A_5 = arith.constant 1.000000e+00 : f32
    %add3A_6 = vector.broadcast %add3A_5 : f32 to vector<1000x1xf32>
    %add3A_7 = arith.addf %add3A, %add3A_6 : vector<1000x1xf32>
    %rsqrt3A = math.rsqrt %add3A_7 : vector<1000x1xf32>
    %get3A_8 = arith.constant 0 : index
    %get3A_9 = arith.constant 0 : index
    %get3A_10 = vector.load %arg1[%get3A_8, %get3A_9] : memref<1000x128xf32, #tpu.memory_space<vmem>>, vector<1000x128xf32>
    %get3A_11 = arith.constant 0 : index
    %get3A_12 = arith.constant 0 : index
    %get3A_13 = vector.load %arg2[%get3A_11, %get3A_12] : memref<128x128xf32, #tpu.memory_space<vmem>>, vector<128x128xf32>
    %dot_general3A = arith.constant dense<0.000000e+00> : vector<1000x128xf32>
    %dot_general3A_14 = tpu.matmul %get3A_10, %get3A_13, %dot_general3A {dimension_numbers = #tpu.dot_dimension_numbers<[1], [1], [0], [0], [0, 0, 1, 0], [], []>, transpose_lhs_hint = false} : vector<1000x128xf32>, vector<128x128xf32>, vector<1000x128xf32> -> vector<1000x128xf32>
    %mul3A = vector.broadcast %rsqrt3A : vector<1000x1xf32> to vector<1000x128xf32>
    %mul3A_15 = arith.mulf %dot_general3A_14, %mul3A : vector<1000x128xf32>
    %swap3A = arith.constant 0 : index
    %swap3A_16 = arith.constant 0 : index
    %swap3A_17 = vector.load %arg5[%swap3A, %swap3A_16] : memref<1000x128xf32, #tpu.memory_space<vmem>>, vector<1000x128xf32>
    tpu.vector_store %arg5[%swap3A, %swap3A_16], %mul3A_15 {strides = array<i32>} : memref<1000x128xf32, #tpu.memory_space<vmem>>, vector<1000x128xf32>,
    %swap3A_18 = arith.constant 0 : index
    %swap3A_19 = arith.constant 0 : index
    %swap3A_20 = vector.load %arg6[%swap3A_18, %swap3A_19] : memref<1000x1xf32, #tpu.memory_space<vmem>>, vector<1000x1xf32>
    tpu.vector_store %arg6[%swap3A_18, %swap3A_19], %rsqrt3A {strides = array<i32>} : memref<1000x1xf32, #tpu.memory_space<vmem>>, vector<1000x1xf32>,
    return
  }
  func.func @transform_0(%arg0: i32) -> (i32, i32) {
    %c0_i32 = arith.constant 0 : i32
    %c0_i32_0 = arith.constant 0 : i32
    return %arg0, %c0_i32 : i32, i32
  }
  func.func @transform_1(%arg0: i32) -> (i32, i32) {
    %c0_i32 = arith.constant 0 : i32
    %c0_i32_0 = arith.constant 0 : i32
    %c0_i32_1 = arith.constant 0 : i32
    return %c0_i32, %c0_i32_0 : i32, i32
  }
  func.func @transform_2(%arg0: i32) -> (i32, i32) {
    %c0_i32 = arith.constant 0 : i32
    %c0_i32_0 = arith.constant 0 : i32
    return %arg0, %c0_i32 : i32, i32
  }
  func.func @transform_3(%arg0: i32) -> (i32, i32) {
    %c0_i32 = arith.constant 0 : i32
    %c0_i32_0 = arith.constant 0 : i32
    return %arg0, %c0_i32 : i32, i32
  }
  func.func @transform_4(%arg0: i32) -> (i32, i32) {
    %c0_i32 = arith.constant 0 : i32
    %c0_i32_0 = arith.constant 0 : i32
    return %arg0, %c0_i32 : i32, i32
  }
  func.func @transform_5(%arg0: i32) -> (i32, i32) {
    %c0_i32 = arith.constant 0 : i32
    %c0_i32_0 = arith.constant 0 : i32
    return %arg0, %c0_i32 : i32, i32
  }
}

module attributes {stable_mosaic.version = 14 : i64} {
  func.func @body(%arg0: i32, %arg1: memref<1000x128xf32, #tpu.memory_space<vmem>>, %arg2: memref<1000x128xf32, #tpu.memory_space<vmem>>, %arg3: memref<1000x128xf32, #tpu.memory_space<vmem>>, %arg4: memref<1000x1xf32, #tpu.memory_space<vmem>>, %arg5: memref<1x128xf32, #tpu.memory_space<vmem>>, %arg6: memref<128x128xf32, #tpu.memory_space<vmem>>, %arg7: memref<1000x128xf32, #tpu.memory_space<vmem>>) attributes {dimension_semantics = [#tpu.dimension_semantics<arbitrary>], iteration_bounds = array<i64: 10>, scalar_prefetch = 0 : i64, scratch_operands = 0 : i64, tpu.core_type = #tpu.core_type<tc>, window_params = [{transform_indices = @transform_0, window_bounds = array<i64: 1000, 128>}, {transform_indices = @transform_1, window_bounds = array<i64: 1000, 128>}, {transform_indices = @transform_2, window_bounds = array<i64: 1000, 128>}, {transform_indices = @transform_3, window_bounds = array<i64: 1000, 1>}, {pipeline_mode = #tpu.pipeline_mode<synchronous>, transform_indices = @transform_4, window_bounds = array<i64: 1, 128>}, {pipeline_mode = #tpu.pipeline_mode<synchronous>, transform_indices = @transform_5, window_bounds = array<i64: 128, 128>}, {transform_indices = @transform_6, window_bounds = array<i64: 1000, 128>}]} {
    %get3A = arith.constant 0 : index
    %get3A_0 = arith.constant 0 : index
    %get3A_1 = vector.load %arg4[%get3A, %get3A_0] : memref<1000x1xf32, #tpu.memory_space<vmem>>, vector<1000x1xf32>
    %get3A_2 = arith.constant 0 : index
    %get3A_3 = arith.constant 0 : index
    %get3A_4 = vector.load %arg1[%get3A_2, %get3A_3] : memref<1000x128xf32, #tpu.memory_space<vmem>>, vector<1000x128xf32>
    %get3A_5 = arith.constant 0 : index
    %get3A_6 = arith.constant 0 : index
    %get3A_7 = vector.load %arg2[%get3A_5, %get3A_6] : memref<1000x128xf32, #tpu.memory_space<vmem>>, vector<1000x128xf32>
    %add3A = arith.addf %get3A_4, %get3A_7 : vector<1000x128xf32>
    %get3A_8 = arith.constant 0 : index
    %get3A_9 = arith.constant 0 : index
    %get3A_10 = vector.load %arg3[%get3A_8, %get3A_9] : memref<1000x128xf32, #tpu.memory_space<vmem>>, vector<1000x128xf32>
    %add3A_11 = arith.addf %add3A, %get3A_10 : vector<1000x128xf32>
    %mul3A = vector.broadcast %get3A_1 : vector<1000x1xf32> to vector<1000x128xf32>
    %mul3A_12 = arith.mulf %mul3A, %add3A_11 : vector<1000x128xf32>
    %get3A_13 = arith.constant 0 : index
    %get3A_14 = arith.constant 0 : index
    %get3A_15 = vector.load %arg5[%get3A_13, %get3A_14] : memref<1x128xf32, #tpu.memory_space<vmem>>, vector<1x128xf32>
    %add3A_16 = vector.broadcast %get3A_15 : vector<1x128xf32> to vector<1000x128xf32>
    %add3A_17 = arith.addf %mul3A_12, %add3A_16 : vector<1000x128xf32>
    %max3A = arith.constant 0.000000e+00 : f32
    %max3A_18 = vector.broadcast %max3A : f32 to vector<1000x128xf32>
    %max3A_19 = arith.maximumf %add3A_17, %max3A_18 : vector<1000x128xf32>
    %get3A_20 = arith.constant 0 : index
    %get3A_21 = arith.constant 0 : index
    %get3A_22 = vector.load %arg6[%get3A_20, %get3A_21] : memref<128x128xf32, #tpu.memory_space<vmem>>, vector<128x128xf32>
    %dot_general3A = arith.constant dense<0.000000e+00> : vector<1000x128xf32>
    %dot_general3A_23 = tpu.matmul %max3A_19, %get3A_22, %dot_general3A {dimension_numbers = #tpu.dot_dimension_numbers<[1], [1], [0], [0], [0, 0, 1, 0], [], []>, transpose_lhs_hint = false} : vector<1000x128xf32>, vector<128x128xf32>, vector<1000x128xf32> -> vector<1000x128xf32>
    %mul3A_24 = vector.broadcast %get3A_1 : vector<1000x1xf32> to vector<1000x128xf32>
    %mul3A_25 = arith.mulf %dot_general3A_23, %mul3A_24 : vector<1000x128xf32>
    %swap3A = arith.constant 0 : index
    %swap3A_26 = arith.constant 0 : index
    %swap3A_27 = vector.load %arg7[%swap3A, %swap3A_26] : memref<1000x128xf32, #tpu.memory_space<vmem>>, vector<1000x128xf32>
    tpu.vector_store %arg7[%swap3A, %swap3A_26], %mul3A_25 {strides = array<i32>} : memref<1000x128xf32, #tpu.memory_space<vmem>>, vector<1000x128xf32>,
    return
  }
  func.func @transform_0(%arg0: i32) -> (i32, i32) {
    %c0_i32 = arith.constant 0 : i32
    %c0_i32_0 = arith.constant 0 : i32
    return %arg0, %c0_i32 : i32, i32
  }
  func.func @transform_1(%arg0: i32) -> (i32, i32) {
    %c0_i32 = arith.constant 0 : i32
    %c0_i32_0 = arith.constant 0 : i32
    return %arg0, %c0_i32 : i32, i32
  }
  func.func @transform_2(%arg0: i32) -> (i32, i32) {
    %c0_i32 = arith.constant 0 : i32
    %c0_i32_0 = arith.constant 0 : i32
    return %arg0, %c0_i32 : i32, i32
  }
  func.func @transform_3(%arg0: i32) -> (i32, i32) {
    %c0_i32 = arith.constant 0 : i32
    %c0_i32_0 = arith.constant 0 : i32
    return %arg0, %c0_i32 : i32, i32
  }
  func.func @transform_4(%arg0: i32) -> (i32, i32) {
    %c0_i32 = arith.constant 0 : i32
    %c0_i32_0 = arith.constant 0 : i32
    %c0_i32_1 = arith.constant 0 : i32
    return %c0_i32, %c0_i32_0 : i32, i32
  }
  func.func @transform_5(%arg0: i32) -> (i32, i32) {
    %c0_i32 = arith.constant 0 : i32
    %c0_i32_0 = arith.constant 0 : i32
    %c0_i32_1 = arith.constant 0 : i32
    return %c0_i32, %c0_i32_0 : i32, i32
  }
  func.func @transform_6(%arg0: i32) -> (i32, i32) {
    %c0_i32 = arith.constant 0 : i32
    %c0_i32_0 = arith.constant 0 : i32
    return %arg0, %c0_i32 : i32, i32
  }
}

module attributes {stable_mosaic.version = 14 : i64} {
  func.func @body(%arg0: i32, %arg1: memref<1000x128xf32, #tpu.memory_space<vmem>>, %arg2: memref<1000x128xf32, #tpu.memory_space<vmem>>, %arg3: memref<1000x128xf32, #tpu.memory_space<vmem>>, %arg4: memref<1000x1xf32, #tpu.memory_space<vmem>>, %arg5: memref<1x128xf32, #tpu.memory_space<vmem>>, %arg6: memref<1000x1xi32, #tpu.memory_space<vmem>>, %arg7: memref<128x128xf32, #tpu.memory_space<vmem>>, %arg8: memref<1x1xf32, #tpu.memory_space<vmem>>, %arg9: memref<1024x128xf32, #tpu.memory_space<vmem>>, %arg10: memref<1x1024xf32, #tpu.memory_space<vmem>>, %arg11: memref<64x1xf32, #tpu.memory_space<vmem>>, %arg12: memref<64x1024xf32, #tpu.memory_space<vmem>>, %arg13: memref<64x128xf32, #tpu.memory_space<vmem>>, %arg14: memref<64x128xf32, #tpu.memory_space<vmem>>) attributes {dimension_semantics = [#tpu.dimension_semantics<arbitrary>], iteration_bounds = array<i64: 10>, scalar_prefetch = 0 : i64, scratch_operands = 2 : i64, tpu.core_type = #tpu.core_type<tc>, window_params = [{transform_indices = @transform_0, window_bounds = array<i64: 1000, 128>}, {transform_indices = @transform_1, window_bounds = array<i64: 1000, 128>}, {transform_indices = @transform_2, window_bounds = array<i64: 1000, 128>}, {transform_indices = @transform_3, window_bounds = array<i64: 1000, 1>}, {pipeline_mode = #tpu.pipeline_mode<synchronous>, transform_indices = @transform_4, window_bounds = array<i64: 1, 128>}, {transform_indices = @transform_5, window_bounds = array<i64: 1000, 1>}, {pipeline_mode = #tpu.pipeline_mode<synchronous>, transform_indices = @transform_6, window_bounds = array<i64: 128, 128>}, {pipeline_mode = #tpu.pipeline_mode<synchronous>, transform_indices = @transform_7, window_bounds = array<i64: 1, 1>}, {pipeline_mode = #tpu.pipeline_mode<synchronous>, transform_indices = @transform_8, window_bounds = array<i64: 1024, 128>}, {pipeline_mode = #tpu.pipeline_mode<synchronous>, transform_indices = @transform_9, window_bounds = array<i64: 1, 1024>}, {pipeline_mode = #tpu.pipeline_mode<synchronous>, transform_indices = @transform_10, window_bounds = array<i64: 64, 1>}, {pipeline_mode = #tpu.pipeline_mode<synchronous>, transform_indices = @transform_11, window_bounds = array<i64: 64, 1024>}]} {
    %eq3A = arith.constant 0 : i32
    %eq3A_0 = arith.cmpi eq, %arg0, %eq3A : i32
    %convert_element_type3A = arith.extui %eq3A_0 : i1 to i32
    %cond3A = arith.constant 0 : i32
    %cond3A_1 = arith.cmpi ne, %convert_element_type3A, %cond3A : i32
    scf.if %cond3A_1 {
      %broadcast_in_dim3A_52 = arith.constant 0.000000e+00 : f32
      %broadcast_in_dim3A_53 = vector.broadcast %broadcast_in_dim3A_52 : f32 to vector<64x128xf32>
      %swap3A_54 = arith.constant 0 : index
      %swap3A_55 = arith.constant 0 : index
      %swap3A_56 = vector.load %arg13[%swap3A_54, %swap3A_55] : memref<64x128xf32, #tpu.memory_space<vmem>>, vector<64x128xf32>
      tpu.vector_store %arg13[%swap3A_54, %swap3A_55], %broadcast_in_dim3A_53 {strides = array<i32>} : memref<64x128xf32, #tpu.memory_space<vmem>>, vector<64x128xf32>,
      %broadcast_in_dim3A_57 = arith.constant 0.000000e+00 : f32
      %broadcast_in_dim3A_58 = vector.broadcast %broadcast_in_dim3A_57 : f32 to vector<64x128xf32>
      %swap3A_59 = arith.constant 0 : index
      %swap3A_60 = arith.constant 0 : index
      %swap3A_61 = vector.load %arg14[%swap3A_59, %swap3A_60] : memref<64x128xf32, #tpu.memory_space<vmem>>, vector<64x128xf32>
      tpu.vector_store %arg14[%swap3A_59, %swap3A_60], %broadcast_in_dim3A_58 {strides = array<i32>} : memref<64x128xf32, #tpu.memory_space<vmem>>, vector<64x128xf32>,
    } else {
    }
    %get3A = arith.constant 0 : index
    %get3A_2 = arith.constant 0 : index
    %get3A_3 = vector.load %arg4[%get3A, %get3A_2] : memref<1000x1xf32, #tpu.memory_space<vmem>>, vector<1000x1xf32>
    %get3A_4 = arith.constant 0 : index
    %get3A_5 = arith.constant 0 : index
    %get3A_6 = vector.load %arg1[%get3A_4, %get3A_5] : memref<1000x128xf32, #tpu.memory_space<vmem>>, vector<1000x128xf32>
    %get3A_7 = arith.constant 0 : index
    %get3A_8 = arith.constant 0 : index
    %get3A_9 = vector.load %arg2[%get3A_7, %get3A_8] : memref<1000x128xf32, #tpu.memory_space<vmem>>, vector<1000x128xf32>
    %add3A = arith.addf %get3A_6, %get3A_9 : vector<1000x128xf32>
    %get3A_10 = arith.constant 0 : index
    %get3A_11 = arith.constant 0 : index
    %get3A_12 = vector.load %arg3[%get3A_10, %get3A_11] : memref<1000x128xf32, #tpu.memory_space<vmem>>, vector<1000x128xf32>
    %add3A_13 = arith.addf %add3A, %get3A_12 : vector<1000x128xf32>
    %mul3A = vector.broadcast %get3A_3 : vector<1000x1xf32> to vector<1000x128xf32>
    %mul3A_14 = arith.mulf %mul3A, %add3A_13 : vector<1000x128xf32>
    %get3A_15 = arith.constant 0 : index
    %get3A_16 = arith.constant 0 : index
    %get3A_17 = vector.load %arg5[%get3A_15, %get3A_16] : memref<1x128xf32, #tpu.memory_space<vmem>>, vector<1x128xf32>
    %add3A_18 = vector.broadcast %get3A_17 : vector<1x128xf32> to vector<1000x128xf32>
    %add3A_19 = arith.addf %mul3A_14, %add3A_18 : vector<1000x128xf32>
    %max3A = arith.constant 0.000000e+00 : f32
    %max3A_20 = vector.broadcast %max3A : f32 to vector<1000x128xf32>
    %max3A_21 = arith.maximumf %add3A_19, %max3A_20 : vector<1000x128xf32>
    %get3A_22 = arith.constant 0 : index
    %get3A_23 = arith.constant 0 : index
    %get3A_24 = vector.load %arg6[%get3A_22, %get3A_23] : memref<1000x1xi32, #tpu.memory_space<vmem>>, vector<1000x1xi32>
    %iota3A = tpu.iota {dimensions = array<i32: 1>} : vector<1x64xi32>
    %eq3A_25 = vector.broadcast %get3A_24 : vector<1000x1xi32> to vector<1000x64xi32>
    %eq3A_26 = vector.broadcast %iota3A : vector<1x64xi32> to vector<1000x64xi32>
    %eq3A_27 = arith.cmpi eq, %eq3A_25, %eq3A_26 : vector<1000x64xi32>
    %convert_element_type3A_28 = arith.extui %eq3A_27 : vector<1000x64xi1> to vector<1000x64xi32>
    %convert_element_type3A_29 = arith.sitofp %convert_element_type3A_28 : vector<1000x64xi32> to vector<1000x64xf32>
    %get3A_30 = arith.constant 0 : index
    %get3A_31 = arith.constant 0 : index
    %get3A_32 = vector.load %arg13[%get3A_30, %get3A_31] : memref<64x128xf32, #tpu.memory_space<vmem>>, vector<64x128xf32>
    %dot_general3A = arith.constant dense<0.000000e+00> : vector<64x128xf32>
    %dot_general3A_33 = tpu.matmul %convert_element_type3A_29, %max3A_21, %dot_general3A {dimension_numbers = #tpu.dot_dimension_numbers<[0], [0], [1], [1], [0, 1, 1, 1], [], []>, precision = #tpu.contract_precision<fp32>, transpose_lhs_hint = false} : vector<1000x64xf32>, vector<1000x128xf32>, vector<64x128xf32> -> vector<64x128xf32>
    %add3A_34 = arith.addf %get3A_32, %dot_general3A_33 : vector<64x128xf32>
    %swap3A = arith.constant 0 : index
    %swap3A_35 = arith.constant 0 : index
    %swap3A_36 = vector.load %arg13[%swap3A, %swap3A_35] : memref<64x128xf32, #tpu.memory_space<vmem>>, vector<64x128xf32>
    tpu.vector_store %arg13[%swap3A, %swap3A_35], %add3A_34 {strides = array<i32>} : memref<64x128xf32, #tpu.memory_space<vmem>>, vector<64x128xf32>,
    %get3A_37 = arith.constant 0 : index
    %get3A_38 = arith.constant 0 : index
    %get3A_39 = vector.load %arg14[%get3A_37, %get3A_38] : memref<64x128xf32, #tpu.memory_space<vmem>>, vector<64x128xf32>
    %broadcast_in_dim3A = arith.constant 1.000000e+00 : f32
    %broadcast_in_dim3A_40 = vector.broadcast %broadcast_in_dim3A : f32 to vector<1000x128xf32>
    %dot_general3A_41 = arith.constant dense<0.000000e+00> : vector<64x128xf32>
    %dot_general3A_42 = tpu.matmul %convert_element_type3A_29, %broadcast_in_dim3A_40, %dot_general3A_41 {dimension_numbers = #tpu.dot_dimension_numbers<[0], [0], [1], [1], [0, 1, 1, 1], [], []>, precision = #tpu.contract_precision<fp32>, transpose_lhs_hint = false} : vector<1000x64xf32>, vector<1000x128xf32>, vector<64x128xf32> -> vector<64x128xf32>
    %add3A_43 = arith.addf %get3A_39, %dot_general3A_42 : vector<64x128xf32>
    %swap3A_44 = arith.constant 0 : index
    %swap3A_45 = arith.constant 0 : index
    %swap3A_46 = vector.load %arg14[%swap3A_44, %swap3A_45] : memref<64x128xf32, #tpu.memory_space<vmem>>, vector<64x128xf32>
    tpu.vector_store %arg14[%swap3A_44, %swap3A_45], %add3A_43 {strides = array<i32>} : memref<64x128xf32, #tpu.memory_space<vmem>>, vector<64x128xf32>,
    %eq3A_47 = arith.constant 9 : i32
    %eq3A_48 = arith.cmpi eq, %arg0, %eq3A_47 : i32
    %convert_element_type3A_49 = arith.extui %eq3A_48 : i1 to i32
    %cond3A_50 = arith.constant 0 : i32
    %cond3A_51 = arith.cmpi ne, %convert_element_type3A_49, %cond3A_50 : i32
    scf.if %cond3A_51 {
      %get3A_52 = arith.constant 0 : index
      %get3A_53 = arith.constant 0 : index
      %get3A_54 = vector.load %arg13[%get3A_52, %get3A_53] : memref<64x128xf32, #tpu.memory_space<vmem>>, vector<64x128xf32>
      %get3A_55 = arith.constant 0 : index
      %get3A_56 = arith.constant 0 : index
      %get3A_57 = vector.load %arg14[%get3A_55, %get3A_56] : memref<64x128xf32, #tpu.memory_space<vmem>>, vector<64x128xf32>
      %max3A_58 = arith.constant 1.000000e+00 : f32
      %max3A_59 = vector.broadcast %max3A_58 : f32 to vector<64x128xf32>
      %max3A_60 = arith.maximumf %get3A_57, %max3A_59 : vector<64x128xf32>
      %div3A = arith.divf %get3A_54, %max3A_60 : vector<64x128xf32>
      %get3A_61 = arith.constant 0 : index
      %get3A_62 = arith.constant 0 : index
      %get3A_63 = vector.load %arg7[%get3A_61, %get3A_62] : memref<128x128xf32, #tpu.memory_space<vmem>>, vector<128x128xf32>
      %dot_general3A_64 = arith.constant dense<0.000000e+00> : vector<64x128xf32>
      %dot_general3A_65 = tpu.matmul %div3A, %get3A_63, %dot_general3A_64 {dimension_numbers = #tpu.dot_dimension_numbers<[1], [1], [0], [0], [0, 0, 1, 0], [], []>, transpose_lhs_hint = false} : vector<64x128xf32>, vector<128x128xf32>, vector<64x128xf32> -> vector<64x128xf32>
      %slice3A = vector.extract_strided_slice %dot_general3A_65 {offsets = [0, 0], sizes = [64, 1], strides = [1, 1]} : vector<64x128xf32> to vector<64x1xf32>
      %get3A_66 = arith.constant 0 : index
      %get3A_67 = arith.constant 0 : index
      %get3A_68 = vector.load %arg8[%get3A_66, %get3A_67] : memref<1x1xf32, #tpu.memory_space<vmem>>, vector<1x1xf32>
      %get3A_69 = vector.extract %get3A_68[0, 0] : f32 from vector<1x1xf32>
      %add3A_70 = vector.broadcast %get3A_69 : f32 to vector<64x1xf32>
      %add3A_71 = arith.addf %slice3A, %add3A_70 : vector<64x1xf32>
      %tanh3A = math.tanh %add3A_71 : vector<64x1xf32>
      %swap3A_72 = arith.constant 0 : index
      %swap3A_73 = arith.constant 0 : index
      %swap3A_74 = vector.load %arg11[%swap3A_72, %swap3A_73] : memref<64x1xf32, #tpu.memory_space<vmem>>, vector<64x1xf32>
      tpu.vector_store %arg11[%swap3A_72, %swap3A_73], %tanh3A {strides = array<i32>} : memref<64x1xf32, #tpu.memory_space<vmem>>, vector<64x1xf32>,
      %get3A_75 = arith.constant 0 : index
      %get3A_76 = arith.constant 0 : index
      %get3A_77 = vector.load %arg9[%get3A_75, %get3A_76] : memref<1024x128xf32, #tpu.memory_space<vmem>>, vector<1024x128xf32>
      %dot_general3A_78 = arith.constant dense<0.000000e+00> : vector<64x1024xf32>
      %dot_general3A_79 = tpu.matmul %div3A, %get3A_77, %dot_general3A_78 {dimension_numbers = #tpu.dot_dimension_numbers<[1], [1], [0], [0], [0, 0, 1, 0], [], []>, transpose_lhs_hint = false} : vector<64x128xf32>, vector<1024x128xf32>, vector<64x1024xf32> -> vector<64x1024xf32>
      %get3A_80 = arith.constant 0 : index
      %get3A_81 = arith.constant 0 : index
      %get3A_82 = vector.load %arg10[%get3A_80, %get3A_81] : memref<1x1024xf32, #tpu.memory_space<vmem>>, vector<1x1024xf32>
      %add3A_83 = vector.broadcast %get3A_82 : vector<1x1024xf32> to vector<64x1024xf32>
      %add3A_84 = arith.addf %dot_general3A_79, %add3A_83 : vector<64x1024xf32>
      %reduce_max3A = arith.constant dense<0xFF800000> : vector<64xf32>
      %reduce_max3A_85 = vector.multi_reduction <maximumf>, %add3A_84, %reduce_max3A [1] : vector<64x1024xf32> to vector<64xf32>
      %broadcast_in_dim3A_86 = vector.shape_cast %reduce_max3A_85 : vector<64xf32> to vector<64x1xf32>
      %sub3A = vector.broadcast %broadcast_in_dim3A_86 : vector<64x1xf32> to vector<64x1024xf32>
      %sub3A_87 = arith.subf %add3A_84, %sub3A : vector<64x1024xf32>
      %exp3A = math.exp %sub3A_87 : vector<64x1024xf32>
      %reduce_sum3A = arith.constant dense<0.000000e+00> : vector<64xf32>
      %reduce_sum3A_88 = vector.multi_reduction <add>, %exp3A, %reduce_sum3A [1] : vector<64x1024xf32> to vector<64xf32>
      %broadcast_in_dim3A_89 = vector.shape_cast %reduce_sum3A_88 : vector<64xf32> to vector<64x1xf32>
      %div3A_90 = vector.broadcast %broadcast_in_dim3A_89 : vector<64x1xf32> to vector<64x1024xf32>
      %div3A_91 = arith.divf %exp3A, %div3A_90 : vector<64x1024xf32>
      %swap3A_92 = arith.constant 0 : index
      %swap3A_93 = arith.constant 0 : index
      %swap3A_94 = vector.load %arg12[%swap3A_92, %swap3A_93] : memref<64x1024xf32, #tpu.memory_space<vmem>>, vector<64x1024xf32>
      tpu.vector_store %arg12[%swap3A_92, %swap3A_93], %div3A_91 {strides = array<i32>} : memref<64x1024xf32, #tpu.memory_space<vmem>>, vector<64x1024xf32>,
    } else {
    }
    return
  }
  func.func @transform_0(%arg0: i32) -> (i32, i32) {
    %c0_i32 = arith.constant 0 : i32
    %c0_i32_0 = arith.constant 0 : i32
    return %arg0, %c0_i32 : i32, i32
  }
  func.func @transform_1(%arg0: i32) -> (i32, i32) {
    %c0_i32 = arith.constant 0 : i32
    %c0_i32_0 = arith.constant 0 : i32
    return %arg0, %c0_i32 : i32, i32
  }
  func.func @transform_2(%arg0: i32) -> (i32, i32) {
    %c0_i32 = arith.constant 0 : i32
    %c0_i32_0 = arith.constant 0 : i32
    return %arg0, %c0_i32 : i32, i32
  }
  func.func @transform_3(%arg0: i32) -> (i32, i32) {
    %c0_i32 = arith.constant 0 : i32
    %c0_i32_0 = arith.constant 0 : i32
    return %arg0, %c0_i32 : i32, i32
  }
  func.func @transform_4(%arg0: i32) -> (i32, i32) {
    %c0_i32 = arith.constant 0 : i32
    %c0_i32_0 = arith.constant 0 : i32
    %c0_i32_1 = arith.constant 0 : i32
    return %c0_i32, %c0_i32_0 : i32, i32
  }
  func.func @transform_5(%arg0: i32) -> (i32, i32) {
    %c0_i32 = arith.constant 0 : i32
    %c0_i32_0 = arith.constant 0 : i32
    return %arg0, %c0_i32 : i32, i32
  }
  func.func @transform_6(%arg0: i32) -> (i32, i32) {
    %c0_i32 = arith.constant 0 : i32
    %c0_i32_0 = arith.constant 0 : i32
    %c0_i32_1 = arith.constant 0 : i32
    return %c0_i32, %c0_i32_0 : i32, i32
  }
  func.func @transform_7(%arg0: i32) -> (i32, i32) {
    %c0_i32 = arith.constant 0 : i32
    %c0_i32_0 = arith.constant 0 : i32
    %c0_i32_1 = arith.constant 0 : i32
    return %c0_i32, %c0_i32_0 : i32, i32
  }
  func.func @transform_8(%arg0: i32) -> (i32, i32) {
    %c0_i32 = arith.constant 0 : i32
    %c0_i32_0 = arith.constant 0 : i32
    %c0_i32_1 = arith.constant 0 : i32
    return %c0_i32, %c0_i32_0 : i32, i32
  }
  func.func @transform_9(%arg0: i32) -> (i32, i32) {
    %c0_i32 = arith.constant 0 : i32
    %c0_i32_0 = arith.constant 0 : i32
    %c0_i32_1 = arith.constant 0 : i32
    return %c0_i32, %c0_i32_0 : i32, i32
  }
  func.func @transform_10(%arg0: i32) -> (i32, i32) {
    %c0_i32 = arith.constant 0 : i32
    %c0_i32_0 = arith.constant 0 : i32
    %c0_i32_1 = arith.constant 0 : i32
    return %c0_i32, %c0_i32_0 : i32, i32
  }
  func.func @transform_11(%arg0: i32) -> (i32, i32) {
    %c0_i32 = arith.constant 0 : i32
    %c0_i32_0 = arith.constant 0 : i32
    %c0_i32_1 = arith.constant 0 : i32
    return %c0_i32, %c0_i32_0 : i32, i32
  }
}

</mosaic_0001>

<sc_bundles>
// kernel: kernel.11.cloned.1.call-start
scs
__scs_entry_jumppad:
0x0: {  	(pc) =	sbr.rel $0x88, $3  }
0x1: {  	(tag) =	ssettag $0x0;
	lr =	simm.s32 $0x1  }
0x2: {  	[smem:$0x3F96] =	sst lr;
	_ =	strace $0xD0000000  }
0x3: {  	_ = 	snop  }
0x4: {  	_ = 	snop  }
0x5: {  	_ = 	snop  }
0x6: {  	_ = 	snop  }
0x7: {  	_ = 	snop  }
__scs_overlays_trampoline_lowered:
0x8: {  	[smem:$0x3FA5] =	sst s0  }
0x9: {  	[smem:$0x3FA6] =	sst s1  }
0xa: {  	[smem:$0x3FA7] =	sst s2  }
0xb: {  	[smem:$0x3FA8] =	sst s3  }
0xc: {  	[smem:$0x3FA9] =	sst s4  }
0xd: {  	[smem:$0x3FAA] =	sst s5  }
0xe: {  	[smem:$0x3FAB] =	sst s6  }
0xf: {  	[smem:$0x3FAC] =	sst s7  }
0x10: {  	[smem:$0x3FAD] =	sst s8  }
0x11: {  	[smem:$0x3FAE] =	sst s9;
	s0 =	simm.s32 @!p0 $0x0  }
0x12: {  	s1 =	sld [smem:$0x3F94];
	s0 =	simm.s32 @p0 $0x1  }
0x13: {  	[smem:$0x3FAF] =	sst s0;
	s0 =	simm.s32 @!p1 $0x0  }
0x14: {  	s2 =	sld [smem:$0x3F93];
	s0 =	simm.s32 @p1 $0x1  }
0x15: {  	[smem:$0x3FB0] =	sst s0;
	s0 =	simm.s32 @!p2 $0x0  }
0x16: {  	s3 =	sld [smem:$0x3FDB];
	s0 =	simm.s32 @p2 $0x1  }
0x17: {  	s4 =	simm.s32 $0x1BF5;
	[smem:$0x3FB2] =	sst s0  }
0x18: {  	s0 =	sld [smem:$0x3F95];
	_ =	swait.ge [sflag:s4], $0x0  }
0x19: {  	s7 =	sld [smem:$0x3F96]  }
0x1a: {  	s8 =	sadd.s32 $0xFFFFE003, lr  }
0x1b: {  	s9 =	sadd.s32 $0xFFFFFEF7, lr;
	s5 =	simm.s32 $0xFFFFFFFF;
	p2 =	slt.u32 s8, $0xFFFFF086  }
0x1c: {  	p1 =	slt.u32 s9, $0xF7A;
	s5 =	simm.s32 @!p2 $0x0  }
0x1d: {  	s5 =	simm.s32 @p1 $0x1;
	p0 =	seq.s32 s7, s2  }
0x1e: {  	s7 =	smul.u32 @!p0 $0xF7A, s2;
	p2 =	seq.s32 @!p0 s5, $0x0  }
0x1f: {  	s9 =	smul.u32 $0xF7A, s1;
	s8 =	simm.s32 @!p0 $0x1BF5;
	p2 =	por !p2, p0  }
0x20: {  	[sflag:s8] =	ssyncset.s32 @!p0 $0xFFFFF086;
	s6 =	sadd.s32 @!p0 s3, s7;
	s7 =	simm.s32 @!p0 $0x108  }
0x21: {  	s3 =	sadd.s32 s3, s9;
	s6 =	sadd.s32 @!p0 $0x88, s6;
	s7 =	simm.s32 @p2 $0x1082  }
0x22: {  	[simem:s7], [sflag:s8] =	dma.local @!p0 [hbm:s6], $0xF7A  }
0x23: {  	s9 =	sor.u32 $0xD0000000, s2;
	s6 =	simm.s32 $0x108;
	_ =	swait.ge @!p0 [sflag:s8], $0x0  }
0x24: {  	s3 =	sadd.s32 $0x88, s3;
	s6 =	simm.s32 @!p1 $0x1082;
	[sflag:s4] =	ssyncset.s32 $0xFFFFF086  }
0x25: {  	[simem:s6], [sflag:s4] =	dma.local [hbm:s3], $0xF7A  }
0x26: {  	[smem:$0x3F96] =	sst s1;
	(tag) =	ssettag s2;
	_ =	strace s9  }
0x27: {  	s1 =	sld [smem:$0x3FA6]  }
0x28: {  	s2 =	sld [smem:$0x3FA7]  }
0x29: {  	s4 =	sld [smem:$0x3FA9]  }
0x2a: {  	p0 =	seq.s32 s5, $0x0;
	s5 =	sld [smem:$0x3FAA]  }
0x2b: {  	s6 =	sld [smem:$0x3FAB]  }
0x2c: {  	s7 =	sld [smem:$0x3FAC]  }
0x2d: {  	s3 =	simm.s32 $0x108;
	s8 =	sld [smem:$0x3FAD]  }
0x2e: {  	s3 =	simm.s32 @!p0 $0x1082;
	s9 =	sld [smem:$0x3FAE]  }
0x2f: {  	lr =	sadd.s32 s0, s3;
	s0 =	sld [smem:$0x3FA5]  }
0x30: {  	s3 =	sld [smem:$0x3FA8]  }
0x31: {  	[smem:$0x3FB1] =	sst s10  }
0x32: {  	s10 =	sld [smem:$0x3FAF];
	_ =	sdelay $0x3  }
0x33: {  	p0 =	seq.s32 s10, $0x1;
	s10 =	sld [smem:$0x3FB1];
	_ =	sdelay $0x3  }
0x34: {  	[smem:$0x3FB1] =	sst s10  }
0x35: {  	s10 =	sld [smem:$0x3FB0];
	_ =	sdelay $0x3  }
0x36: {  	p1 =	seq.s32 s10, $0x1;
	s10 =	sld [smem:$0x3FB1];
	_ =	sdelay $0x3  }
0x37: {  	[smem:$0x3FB1] =	sst s10  }
0x38: {  	s10 =	sld [smem:$0x3FB2]  }
0x39: {  	_ = 	snop;
	(pc) =	sbr.ind lr, $3  }
0x3a: {  	_ = 	snop  }
0x3b: {  	_ = 	snop  }
0x3c: {  	p2 =	seq.s32 s10, $0x1;
	s10 =	sld [smem:$0x3FB1]  }
0x3d: {  	_ =	shalt  }
0x3e: {  	_ =	shalt  }
0x3f: {  	_ =	shalt  }
0x40: {  	_ =	shalt  }
0x41: {  	_ =	shalt  }
0x42: {  	_ =	shalt  }
0x43: {  	_ =	shalt  }
0x44: {  	_ =	shalt  }
0x45: {  	_ =	shalt  }
0x46: {  	_ =	shalt  }
0x47: {  	_ =	shalt  }
0x48: {  	_ =	shalt  }
0x49: {  	_ =	shalt  }
0x4a: {  	_ =	shalt  }
0x4b: {  	_ =	shalt  }
0x4c: {  	_ =	shalt  }
0x4d: {  	_ =	shalt  }
0x4e: {  	_ =	shalt  }
0x4f: {  	_ =	shalt  }
0x50: {  	_ =	shalt  }
0x51: {  	_ =	shalt  }
0x52: {  	_ =	shalt  }
0x53: {  	_ =	shalt  }
0x54: {  	_ =	shalt  }
0x55: {  	_ =	shalt  }
0x56: {  	_ =	shalt  }
0x57: {  	_ =	shalt  }
0x58: {  	_ =	shalt  }
0x59: {  	_ =	shalt  }
0x5a: {  	_ =	shalt  }
0x5b: {  	_ =	shalt  }
0x5c: {  	_ =	shalt  }
0x5d: {  	_ =	shalt  }
0x5e: {  	_ =	shalt  }
0x5f: {  	_ =	shalt  }
0x60: {  	_ =	shalt  }
0x61: {  	_ =	shalt  }
0x62: {  	_ =	shalt  }
0x63: {  	_ =	shalt  }
0x64: {  	_ =	shalt  }
0x65: {  	_ =	shalt  }
0x66: {  	_ =	shalt  }
0x67: {  	_ =	shalt  }
0x68: {  	_ =	shalt  }
0x69: {  	_ =	shalt  }
0x6a: {  	_ =	shalt  }
0x6b: {  	_ =	shalt  }
0x6c: {  	_ =	shalt  }
0x6d: {  	_ =	shalt  }
0x6e: {  	_ =	shalt  }
0x6f: {  	_ =	shalt  }
0x70: {  	_ =	shalt  }
0x71: {  	_ =	shalt  }
0x72: {  	_ =	shalt  }
0x73: {  	_ =	shalt  }
0x74: {  	_ =	shalt  }
0x75: {  	_ =	shalt  }
0x76: {  	_ =	shalt  }
0x77: {  	_ =	shalt  }
0x78: {  	_ =	shalt  }
0x79: {  	_ =	shalt  }
0x7a: {  	_ =	shalt  }
0x7b: {  	_ =	shalt  }
0x7c: {  	_ =	shalt  }
0x7d: {  	_ =	shalt  }
0x7e: {  	_ =	shalt  }
0x7f: {  	_ =	shalt  }
0x80: {  	_ =	shalt  }
0x81: {  	_ =	shalt  }
0x82: {  	_ =	shalt  }
0x83: {  	_ =	shalt  }
0x84: {  	_ =	shalt  }
0x85: {  	_ =	shalt  }
0x86: {  	_ =	shalt  }
0x87: {  	_ =	shalt  }
.Lfunc_end0:
.L_simem_size_0:
called_computation.1_lowered:
.L_overlay_start_0:
0x88: {  	s2 =	sld [smem:$0x3FD9]  }
0x89: {  	s3 =	sld [smem:$0x3FFE];
	_ =	sdelay $0x1  }
0x8a: {  	s1 =	srdreg.scid  }
0x8b: {  	s0 =	sand.u32 $0x1, s1  }
0x8c: {  	s16 =	sshll.u32 s0, $0xA;
	s2 =	sadd.s32 s3, s2  }
0x8d: {  	s2 =	sadd.s32 s2, s16  }
0x8e: {  	[smem:$0x3FBD] =	sst s2  }
0x8f: {  	_ = 	snop  }
0x90: {  	(tm) =	ssettm $0x1  }
0x91: {  	s17 =	sld [smem:$0x3FFB];
	_ =	sdelay $0x3  }
0x92: {  	_ =	strace s17  }
0x93: {  	s2 =	sld [smem:$0x3FFC];
	_ =	sdelay $0x3  }
0x94: {  	_ =	strace s2  }
0x95: {  	s2 =	sld [smem:$0x3FFD];
	_ =	sdelay $0x3  }
0x96: {  	_ =	strace s2  }
0x97: {  	_ =	strace $0x8FFFFFFF  }
0x98: {  	s18 =	sld [smem:$0x3FDB];
	_ =	sdelay $0x1  }
0x99: {  	s19 =	simm.s32 $_scs_section_size  }
0x9a: {  	s4 =	simm.s32 $_size__tile_overlayer_lowered;
	s5 =	simm.s32 $_tile_overlayer_lowered  }
0x9b: {  	s22 =	simm.s32 $0x1BFF;
	s21 =	sshll.u32 s5, $0x1;
	s2 =	sadd.s32 s19, s18  }
0x9c: {  	s6 =	simm.s32 $0x0;
	s20 =	sshll.u32 s4, $0x1;
	s4 =	sadd.s32 s21, s2  }
0x9d: {  	[timem:s6], [sflag:s22] =	dma.local [hbm:s4], s20  }
0x9e: {  	_ =	swait.ge [sflag:s22], s20  }
0x9f: {  	s3 =	ssub.s32 $0x0, s20;
	[sflag:s22] =	ssyncset.done $0x0  }
0xa0: {  	[sflag:s22] =	ssyncadd.s32 s3;
	_ =	sdelay $0x1  }
0xa1: {  	s23 =	simm.s32 $0x1B8B  }
0xa2: {  	_ =	swait.ge [sflag:s23], $0x1  }
0xa3: {  	[sflag:s23] =	ssyncset.done $0x0  }
0xa4: {  	s25 =	simm.s32 $0x1B8E;
	s24 =	sld [smem:$0x3FFE];
	[sflag:s23] =	ssyncadd.s32 $0xFFFFFFFF  }
0xa5: {  	s26 =	simm.s32 $execute0_lowered;
	[smem:$0x3FD2] =	sst s25  }
0xa6: {  	s4 =	sshll.u32 s26, $0x1;
	_ =	strace $0x80000049;
	[dreg:$0x1] =	wrdreg $0xFFFFFFFF  }
0xa7: {  	s28 =	simm.s32 $_size_execute0_lowered;
	s2 =	sadd.s32 s2, s4;
	[dreg:$0x0] =	wrdreg $0x0  }
0xa8: {  	s4 =	sshll.u32 s28, $0x1;
	[dreg:$0x2] =	wrdreg s2  }
0xa9: {  	[dreg:$0x3] =	wrdreg s4  }
0xaa: {  	[dreg:$0x4] =	wrdreg $0xC0  }
0xab: {  	_ =	task [dreg:s6], $0x5FFFF  }
0xac: {  	[dreg:$0x1] =	wrdreg $0xFFFFFFFF  }
0xad: {  	[dreg:$0x0] =	wrdreg $0x60  }
0xae: {  	[dreg:$0x2] =	wrdreg s24  }
0xaf: {  	[dreg:$0x3] =	wrdreg $0xB7800  }
0xb0: {  	[dreg:$0x4] =	wrdreg $0x9  }
0xb1: {  	_ =	task.clear_ibuf [dreg:s6], $0x5FFFF;
	_ =	strace $0x90000049  }
0xb2: {  	s29 =	simm.s32 $0x9;
	_ =	strace $0x8000004B  }
0xb3: {  	_ =	swait.ge [sflag:s29], $0x1  }
0xb4: {  	[sflag:s29] =	ssyncadd.s32 $0xFFFFFFFF  }
0xb5: {  	_ =	strace $0x9000004B  }
0xb6: {  	_ =	sfence  }
0xb7: {  	s30 =	sld [smem:$0x0];
	_ =	sdelay $0x2  }
0xb8: {  	s31 =	sshll.u32 s1, $0xD;
	s1 =	sshrl.u32 s1, $0x2  }
0xb9: {  	s3 =	sand.u32 $0x4000, s31;
	s1 =	sadd.s32 s1, s30  }
0xba: {  	s0 =	sor.u32 s3, s0;
	s1 =	sshll.u32 s1, $0x11  }
0xbb: {  	s0 =	sor.u32 s1, s0  }
0xbc: {  	s0 =	sadd.s32 $0x8F2B, s0  }
0xbd: {  	[sflag:s0] =	ssyncadd.remote.s32 $0x1  }
0xbe: {  	_ =	sfence.sel $0xFFFF  }
0xbf: {  	[dreg:$0x0] =	wrdreg $0xFFFFFFFF;
	(pc) =	sbr.abs _section_cstart, $3  }
0xc0: {  	[dreg:$0x1] =	wrdreg $0xFFFFFFFF  }
0xc1: {  	_ =	task.clear_ibuf [dreg:s6], $0x2FFFF;
	_ =	strace $0x9FFFFFFF  }
0xc2: {  	(tm) =	ssettm $0x7FFFFFFF  }
0xc3: {  	_ =	shalt  }
tec
execute0_lowered:
.L_overlay_start_1:
0x0: {  	(tag) =	ssettag $0x1  }
0x1: {  	s0 =	srdreg.scid;
	s6 =	rddreg [dreg:$0x0]  }
0x2: {  	s2 =	rddreg [dreg:$0x1];
	s3 =	simm.s32 $0x0;
	s13 =	simm.s32 $0x6780  }
0x3: {  	s14 =	simm.s32 $0x8F80;
	s17 =	simm.s32 $0x1;
	s18 =	simm.s32 $0x2  }
0x4: {  	s19 =	simm.s32 $0x6480;
	s20 =	simm.s32 $0x26C0;
	s21 =	simm.s32 $0x6500  }
0x5: {  	s22 =	simm.s32 $0x6580;
	s5 =	sand.u32 $0x1, s0;
	s0 =	stileid.u32  }
0x6: {  	s23 =	simm.s32 $0x0;
	[smem:$0x7FF] =	sst s3;
	s9 =	smul.u32 $0x140000, s5  }
0x7: {  	s4 =	sadd.s32 $0x20000, s6;
	s1 =	sshll.u32 s5, $0x4;
	s10 =	smul.u32 $0x14000, s0  }
0x8: {  	s30 =	ssub.s32 $0x2, s5;
	s12 =	smul.u32 $0x50000, s0;
	s5 =	sadd.s32 $0x1D800, s6  }
0x9: {  	s15 =	sshll.u32 s0, $0x6;
	s7 =	sor.u32 s0, s1;
	s1 =	rddreg [dreg:$0x2]  }
0xa: {  	_ =	strace $0x8000004A;
	s11 =	sshrl.u32 s30, $0x1;
	s15 =	sor.u32 $0x1C03, s15  }
0xb: {  	s8 =	smul.u32 $0x4E2, s7;
	s7 =	sshll.u32 s7, $0xB;
	s9 =	sadd.s32 s10, s9  }
0xc: {  	s10 =	ssub.s32 s30, s11;
	s31 =	sshrl.u32 s12, $0x2;
	s11 =	simm.s32 $0x2780  }
0xd: {  	s12 =	simm.s32 $0x50;
	s7 =	sadd.s32 s7, s6;
	s9 =	sshrl.u32 s9, $0x3  }
0xe: {  	s16 =	sadd.s32 s31, s2;
	s8 =	sadd.s32 s8, s6;
	s9 =	sadd.s32 s9, s6  }
0xf: {  	s7 =	sadd.s32 $0xD800, s7;
	s16 =	sshrl.u32 s16, $0x3;
	s6 =	sadd.s32 $0x3A00, s8  }
0x10: {  	s8 =	sadd.s32 $0x47200, s9;
	s9 =	smax.u32 s10, $0x1;
	s10 =	simm.s32 $0x3  }
.LBB2_1:
0x11: {  	[tilespmem:s3], [sflag:$0x3] =	stream.linear.gather [hbm4b:s6+s3], $0x2710, $0x38;
	[tilespmem:$0x1F780] =	vst v63  }
0x12: {  	_ =	swait.ge [sflag:s10], $0x2710  }
0x13: {  	[sflag:s10] =	ssyncset.done $0x0  }
0x14: {  	[sflag:s10] =	ssyncadd.s32 $0xFFFFD8F0  }
0x15: {  	[tilespmem:s11], [sflag:$0x3] =	stream.linear.gather [hbm4b:s7+s3], $0x3E80, $0x38;
	[tilespmem:$0x1F780] =	vst v63  }
0x16: {  	_ =	swait.ge [sflag:s10], $0x3E80  }
0x17: {  	[sflag:s10] =	ssyncset.done $0x0  }
0x18: {  	[sflag:s10] =	ssyncadd.s32 $0xFFFFC180  }
0x19: {  	[tilespmem:s13], [sflag:$0x1] =	stream.indirect.gather [hbm4b:s4+s12], $0x80, s3, s12, $0xb8;
	[tilespmem:$0x1F780] =	vst v63  }
0x1a: {  	_ = 	snop  }
0x1b: {  	[tilespmem:s14], [sflag:$0x2] =	stream.indirect.gather [hbm4b:s4+s12], $0x80, s12, s12, $0xb8;
	[tilespmem:$0x1F780] =	vst v63  }
0x1c: {  	[spmem:s16], [sflag:s15] =	dma.local [hbm:s5], $0x2800  }
0x1d: {  	_ =	swait.ge [sflag:s10], $0x2800  }
0x1e: {  	[sflag:s10] =	ssyncset.done $0x0  }
0x1f: {  	[sflag:s10] =	ssyncadd.s32 $0xFFFFD800  }
0x20: {  	[bflag:$0x0] =	sbarrier.arrive $0xFFFF  }
0x21: {  	_ =	swait.ge [sflag:s17], $0x2800  }
0x22: {  	[sflag:s17] =	ssyncset.done $0x0  }
0x23: {  	s24 =	simm.s32 $0x2780;
	[sflag:s17] =	ssyncadd.s32 $0xFFFFD800  }
0x24: {  	[spmem:s2] =	stream.indirect.scatter.add.f32 [tilespmem:s13], [sflag:$0x3], $0x80, s24, s12, $0xb8;
	[tilespmem:$0x1F780] =	vst v63  }
0x25: {  	_ =	swait.ge [sflag:s10], $0x2800  }
0x26: {  	[sflag:s10] =	ssyncset.done $0x0  }
0x27: {  	s30 =	simm.s32 $0xA0;
	[sflag:s10] =	ssyncadd.s32 $0xFFFFD800  }
0x28: {  	[tilespmem:s13], [sflag:$0x1] =	stream.indirect.gather [hbm4b:s4+s12], $0x80, s30, s12, $0xb8;
	[tilespmem:$0x1F780] =	vst v63  }
0x29: {  	_ =	swait.ge [sflag:s18], $0x2800  }
0x2a: {  	[sflag:s18] =	ssyncset.done $0x0  }
0x2b: {  	s31 =	simm.s32 $0x2800;
	[sflag:s18] =	ssyncadd.s32 $0xFFFFD800  }
0x2c: {  	[spmem:s2] =	stream.indirect.scatter.add.f32 [tilespmem:s14], [sflag:$0x3], $0x80, s31, s12, $0xb8;
	[tilespmem:$0x1F780] =	vst v63  }
0x2d: {  	_ =	swait.ge [sflag:s10], $0x2800  }
0x2e: {  	s25 =	simm.s32 $0x400;
	[sflag:s10] =	ssyncset.done $0x0  }
0x2f: {  	s26 =	simm.s32 $0x190;
	s24 =	simm.s32 $0xF0;
	[sflag:s10] =	ssyncadd.s32 $0xFFFFD800  }
.LBB2_2:
0x30: {  	[tilespmem:s14], [sflag:$0x2] =	stream.indirect.gather [hbm4b:s4+s12], $0x80, s24, s12, $0xb8;
	[tilespmem:$0x1F780] =	vst v63  }
0x31: {  	s28 =	smov.u32 s25;
	s24 =	smov.u32 s26  }
0x32: {  	p0 =	sne.s32 s25, $0xF000;
	s25 =	sadd.s32 $0x400, s25;
	_ =	swait.ge [sflag:s17], $0x2800  }
0x33: {  	s28 =	sshra.s32 s28, $0x2;
	[sflag:s17] =	ssyncset.done $0x0  }
0x34: {  	s29 =	sadd.s32 $0x2780, s28;
	[sflag:s17] =	ssyncadd.s32 $0xFFFFD800  }
0x35: {  	[spmem:s2] =	stream.indirect.scatter.add.f32 [tilespmem:s13], [sflag:$0x3], $0x80, s29, s12, $0xb8;
	[tilespmem:$0x1F780] =	vst v63  }
0x36: {  	_ =	swait.ge [sflag:s10], $0x2800  }
0x37: {  	[sflag:s10] =	ssyncset.done $0x0  }
0x38: {  	s29 =	sadd.s32 $0xFFFFFFB0, s26;
	[sflag:s10] =	ssyncadd.s32 $0xFFFFD800  }
0x39: {  	[tilespmem:s13], [sflag:$0x1] =	stream.indirect.gather [hbm4b:s4+s12], $0x80, s29, s12, $0xb8;
	[tilespmem:$0x1F780] =	vst v63  }
0x3a: {  	_ =	swait.ge [sflag:s18], $0x2800  }
0x3b: {  	[sflag:s18] =	ssyncset.done $0x0  }
.Ltmp0:
0x3c: {  	s28 =	sadd.s32 $0x2800, s28;
	[sflag:s18] =	ssyncadd.s32 $0xFFFFD800;
	(pc) =	sbr.rel @p0 .LBB2_2-.Ltmp0, $4  }
0x3d: {  	[spmem:s2] =	stream.indirect.scatter.add.f32 [tilespmem:s14], [sflag:$0x3], $0x80, s28, s12, $0xb8;
	[tilespmem:$0x1F780] =	vst v63  }
0x3e: {  	_ =	swait.ge [sflag:s10], $0x2800  }
0x3f: {  	[sflag:s10] =	ssyncset.done $0x0  }
0x40: {  	s26 =	sadd.s32 $0xA0, s26;
	[sflag:s10] =	ssyncadd.s32 $0xFFFFD800  }
0x41: {  	[tilespmem:s14], [sflag:$0x2] =	stream.indirect.gather [hbm4b:s4+s12], $0x80, s24, s12, $0xb8;
	[tilespmem:$0x1F780] =	vst v63  }
0x42: {  	_ =	swait.ge [sflag:s17], $0x2800  }
0x43: {  	[sflag:s17] =	ssyncset.done $0x0  }
0x44: {  	[sflag:s17] =	ssyncadd.s32 $0xFFFFD800  }
0x45: {  	[spmem:s2] =	stream.indirect.scatter.add.f32 [tilespmem:s13], [sflag:$0x3], $0x80, s19, s12, $0xb8;
	[tilespmem:$0x1F780] =	vst v63  }
0x46: {  	_ =	swait.ge [sflag:s10], $0x2800  }
0x47: {  	[sflag:s10] =	ssyncset.done $0x0  }
0x48: {  	[sflag:s10] =	ssyncadd.s32 $0xFFFFD800  }
0x49: {  	[tilespmem:s13], [sflag:$0x1] =	stream.indirect.gather [hbm4b:s4+s12], $0x80, s20, s12, $0xb8;
	[tilespmem:$0x1F780] =	vst v63  }
0x4a: {  	_ =	swait.ge [sflag:s18], $0x2800  }
0x4b: {  	[sflag:s18] =	ssyncset.done $0x0  }
0x4c: {  	[sflag:s18] =	ssyncadd.s32 $0xFFFFD800  }
0x4d: {  	[spmem:s2] =	stream.indirect.scatter.add.f32 [tilespmem:s14], [sflag:$0x3], $0x80, s21, s12, $0xb8;
	[tilespmem:$0x1F780] =	vst v63  }
0x4e: {  	_ =	swait.ge [sflag:s10], $0x2800  }
0x4f: {  	[sflag:s10] =	ssyncset.done $0x0  }
0x50: {  	[sflag:s10] =	ssyncadd.s32 $0xFFFFD800  }
0x51: {  	_ =	swait.ge [sflag:s17], $0x2800  }
0x52: {  	[sflag:s17] =	ssyncset.done $0x0  }
0x53: {  	[sflag:s17] =	ssyncadd.s32 $0xFFFFD800  }
0x54: {  	[spmem:s2] =	stream.indirect.scatter.add.f32 [tilespmem:s13], [sflag:$0x3], $0x80, s22, s12, $0xb8;
	[tilespmem:$0x1F780] =	vst v63  }
0x55: {  	_ =	swait.ge [sflag:s10], $0x2800  }
0x56: {  	s23 =	sadd.s32 $0x1, s23;
	[sflag:s10] =	ssyncset.done $0x0  }
0x57: {  	p0 =	sne.s32 s23, s9;
	[sflag:s10] =	ssyncadd.s32 $0xFFFFD800  }
.Ltmp1:
0x58: {  	[bflag:$0x0] =	sbarrier.arrive $0xFFFF;
	(pc) =	sbr.rel @p0 .LBB2_1-.Ltmp1, $4  }
0x59: {  	[hbm:s8], [sflag:s15] =	dma.local [spmem:s16], $0x2800  }
0x5a: {  	_ =	swait.ge [sflag:s10], $0x2800  }
0x5b: {  	[sflag:s10] =	ssyncset.done $0x0  }
0x5c: {  	[sflag:s10] =	ssyncadd.s32 $0xFFFFD800  }
0x5d: {  	_ =	sfence.sel $0x180000  }
0x5e: {  	[bflag:$0x0] =	sbarrier.arrive $0xFFFF  }
0x5f: {  	p0 =	sne.s32 s0, $0x0;
	_ =	strace $0x9000004A  }
0x60: {  	s0 =	sadd.s32 @!p0 $0x100000, s1;
	[bflag:$0x2] =	sbarrier.arrive $0xFFFF  }
0x61: {  	[sflag:s0] =	ssyncadd.tile.s32 @!p0 $0x1;
	_ =	shalt  }
.Lfunc_end2:
_tile_overlayer_lowered:
.L_overlay_start_2:
0x62: {  	(tag) =	ssettag $0x2  }
0x63: {  	s0 =	rddreg [dreg:$0x0];
	s2 =	stileid.u32  }
0x64: {  	s1 =	rddreg [dreg:$0x1];
	p0 =	sne.s32 s2, $0x0  }
0x65: {  	s3 =	rddreg [dreg:$0x2];
	[bflag:$0x3] =	sbarrier.arrive $0xFFFF;
	s2 =	simm.s32 @!p0 $0x1C03  }
0x66: {  	[timem:s3], [sflag:s2] =	dma.local @!p0 [hbm:s0], s1  }
0x67: {  	s0 =	simm.s32 @!p0 $0x3  }
0x68: {  	_ =	swait.ge @!p0 [sflag:s0], s1  }
0x69: {  	s1 =	ssub.s32 @!p0 $0x0, s1;
	[sflag:s0] =	ssyncset.done @!p0 $0x0  }
0x6a: {  	[sflag:s0] =	ssyncadd.s32 @!p0 s1  }
0x6b: {  	[bflag:$0x3] =	sbarrier.arrive $0xFFFF  }
0x6c: {  	_ =	shalt  }

// kernel: kernel.14.cloned.1.call-start
scs
__scs_entry_jumppad:
0x0: {  	(pc) =	sbr.rel $0x88, $3  }
0x1: {  	(tag) =	ssettag $0x0;
	lr =	simm.s32 $0x1  }
0x2: {  	[smem:$0x3F96] =	sst lr;
	_ =	strace $0xD0000000  }
0x3: {  	_ = 	snop  }
0x4: {  	_ = 	snop  }
0x5: {  	_ = 	snop  }
0x6: {  	_ = 	snop  }
0x7: {  	_ = 	snop  }
__scs_overlays_trampoline_lowered:
0x8: {  	[smem:$0x3FA5] =	sst s0  }
0x9: {  	[smem:$0x3FA6] =	sst s1  }
0xa: {  	[smem:$0x3FA7] =	sst s2  }
0xb: {  	[smem:$0x3FA8] =	sst s3  }
0xc: {  	[smem:$0x3FA9] =	sst s4  }
0xd: {  	[smem:$0x3FAA] =	sst s5  }
0xe: {  	[smem:$0x3FAB] =	sst s6  }
0xf: {  	[smem:$0x3FAC] =	sst s7  }
0x10: {  	[smem:$0x3FAD] =	sst s8  }
0x11: {  	[smem:$0x3FAE] =	sst s9;
	s0 =	simm.s32 @!p0 $0x0  }
0x12: {  	s1 =	sld [smem:$0x3F94];
	s0 =	simm.s32 @p0 $0x1  }
0x13: {  	[smem:$0x3FAF] =	sst s0;
	s0 =	simm.s32 @!p1 $0x0  }
0x14: {  	s2 =	sld [smem:$0x3F93];
	s0 =	simm.s32 @p1 $0x1  }
0x15: {  	[smem:$0x3FB0] =	sst s0;
	s0 =	simm.s32 @!p2 $0x0  }
0x16: {  	s3 =	sld [smem:$0x3FDB];
	s0 =	simm.s32 @p2 $0x1  }
0x17: {  	s4 =	simm.s32 $0x1BF5;
	[smem:$0x3FB2] =	sst s0  }
0x18: {  	s0 =	sld [smem:$0x3F95];
	_ =	swait.ge [sflag:s4], $0x0  }
0x19: {  	s7 =	sld [smem:$0x3F96]  }
0x1a: {  	s8 =	sadd.s32 $0xFFFFE003, lr  }
0x1b: {  	s9 =	sadd.s32 $0xFFFFFEF7, lr;
	s5 =	simm.s32 $0xFFFFFFFF;
	p2 =	slt.u32 s8, $0xFFFFF086  }
0x1c: {  	p1 =	slt.u32 s9, $0xF7A;
	s5 =	simm.s32 @!p2 $0x0  }
0x1d: {  	s5 =	simm.s32 @p1 $0x1;
	p0 =	seq.s32 s7, s2  }
0x1e: {  	s7 =	smul.u32 @!p0 $0xF7A, s2;
	p2 =	seq.s32 @!p0 s5, $0x0  }
0x1f: {  	s9 =	smul.u32 $0xF7A, s1;
	s8 =	simm.s32 @!p0 $0x1BF5;
	p2 =	por !p2, p0  }
0x20: {  	[sflag:s8] =	ssyncset.s32 @!p0 $0xFFFFF086;
	s6 =	sadd.s32 @!p0 s3, s7;
	s7 =	simm.s32 @!p0 $0x108  }
0x21: {  	s3 =	sadd.s32 s3, s9;
	s6 =	sadd.s32 @!p0 $0x88, s6;
	s7 =	simm.s32 @p2 $0x1082  }
0x22: {  	[simem:s7], [sflag:s8] =	dma.local @!p0 [hbm:s6], $0xF7A  }
0x23: {  	s9 =	sor.u32 $0xD0000000, s2;
	s6 =	simm.s32 $0x108;
	_ =	swait.ge @!p0 [sflag:s8], $0x0  }
0x24: {  	s3 =	sadd.s32 $0x88, s3;
	s6 =	simm.s32 @!p1 $0x1082;
	[sflag:s4] =	ssyncset.s32 $0xFFFFF086  }
0x25: {  	[simem:s6], [sflag:s4] =	dma.local [hbm:s3], $0xF7A  }
0x26: {  	[smem:$0x3F96] =	sst s1;
	(tag) =	ssettag s2;
	_ =	strace s9  }
0x27: {  	s1 =	sld [smem:$0x3FA6]  }
0x28: {  	s2 =	sld [smem:$0x3FA7]  }
0x29: {  	s4 =	sld [smem:$0x3FA9]  }
0x2a: {  	p0 =	seq.s32 s5, $0x0;
	s5 =	sld [smem:$0x3FAA]  }
0x2b: {  	s6 =	sld [smem:$0x3FAB]  }
0x2c: {  	s7 =	sld [smem:$0x3FAC]  }
0x2d: {  	s3 =	simm.s32 $0x108;
	s8 =	sld [smem:$0x3FAD]  }
0x2e: {  	s3 =	simm.s32 @!p0 $0x1082;
	s9 =	sld [smem:$0x3FAE]  }
0x2f: {  	lr =	sadd.s32 s0, s3;
	s0 =	sld [smem:$0x3FA5]  }
0x30: {  	s3 =	sld [smem:$0x3FA8]  }
0x31: {  	[smem:$0x3FB1] =	sst s10  }
0x32: {  	s10 =	sld [smem:$0x3FAF];
	_ =	sdelay $0x3  }
0x33: {  	p0 =	seq.s32 s10, $0x1;
	s10 =	sld [smem:$0x3FB1];
	_ =	sdelay $0x3  }
0x34: {  	[smem:$0x3FB1] =	sst s10  }
0x35: {  	s10 =	sld [smem:$0x3FB0];
	_ =	sdelay $0x3  }
0x36: {  	p1 =	seq.s32 s10, $0x1;
	s10 =	sld [smem:$0x3FB1];
	_ =	sdelay $0x3  }
0x37: {  	[smem:$0x3FB1] =	sst s10  }
0x38: {  	s10 =	sld [smem:$0x3FB2]  }
0x39: {  	_ = 	snop;
	(pc) =	sbr.ind lr, $3  }
0x3a: {  	_ = 	snop  }
0x3b: {  	_ = 	snop  }
0x3c: {  	p2 =	seq.s32 s10, $0x1;
	s10 =	sld [smem:$0x3FB1]  }
0x3d: {  	_ =	shalt  }
0x3e: {  	_ =	shalt  }
0x3f: {  	_ =	shalt  }
0x40: {  	_ =	shalt  }
0x41: {  	_ =	shalt  }
0x42: {  	_ =	shalt  }
0x43: {  	_ =	shalt  }
0x44: {  	_ =	shalt  }
0x45: {  	_ =	shalt  }
0x46: {  	_ =	shalt  }
0x47: {  	_ =	shalt  }
0x48: {  	_ =	shalt  }
0x49: {  	_ =	shalt  }
0x4a: {  	_ =	shalt  }
0x4b: {  	_ =	shalt  }
0x4c: {  	_ =	shalt  }
0x4d: {  	_ =	shalt  }
0x4e: {  	_ =	shalt  }
0x4f: {  	_ =	shalt  }
0x50: {  	_ =	shalt  }
0x51: {  	_ =	shalt  }
0x52: {  	_ =	shalt  }
0x53: {  	_ =	shalt  }
0x54: {  	_ =	shalt  }
0x55: {  	_ =	shalt  }
0x56: {  	_ =	shalt  }
0x57: {  	_ =	shalt  }
0x58: {  	_ =	shalt  }
0x59: {  	_ =	shalt  }
0x5a: {  	_ =	shalt  }
0x5b: {  	_ =	shalt  }
0x5c: {  	_ =	shalt  }
0x5d: {  	_ =	shalt  }
0x5e: {  	_ =	shalt  }
0x5f: {  	_ =	shalt  }
0x60: {  	_ =	shalt  }
0x61: {  	_ =	shalt  }
0x62: {  	_ =	shalt  }
0x63: {  	_ =	shalt  }
0x64: {  	_ =	shalt  }
0x65: {  	_ =	shalt  }
0x66: {  	_ =	shalt  }
0x67: {  	_ =	shalt  }
0x68: {  	_ =	shalt  }
0x69: {  	_ =	shalt  }
0x6a: {  	_ =	shalt  }
0x6b: {  	_ =	shalt  }
0x6c: {  	_ =	shalt  }
0x6d: {  	_ =	shalt  }
0x6e: {  	_ =	shalt  }
0x6f: {  	_ =	shalt  }
0x70: {  	_ =	shalt  }
0x71: {  	_ =	shalt  }
0x72: {  	_ =	shalt  }
0x73: {  	_ =	shalt  }
0x74: {  	_ =	shalt  }
0x75: {  	_ =	shalt  }
0x76: {  	_ =	shalt  }
0x77: {  	_ =	shalt  }
0x78: {  	_ =	shalt  }
0x79: {  	_ =	shalt  }
0x7a: {  	_ =	shalt  }
0x7b: {  	_ =	shalt  }
0x7c: {  	_ =	shalt  }
0x7d: {  	_ =	shalt  }
0x7e: {  	_ =	shalt  }
0x7f: {  	_ =	shalt  }
0x80: {  	_ =	shalt  }
0x81: {  	_ =	shalt  }
0x82: {  	_ =	shalt  }
0x83: {  	_ =	shalt  }
0x84: {  	_ =	shalt  }
0x85: {  	_ =	shalt  }
0x86: {  	_ =	shalt  }
0x87: {  	_ =	shalt  }
.Lfunc_end0:
.L_simem_size_0:
called_computation.2_lowered:
.L_overlay_start_0:
0x88: {  	s2 =	sld [smem:$0x3FD9]  }
0x89: {  	s3 =	sld [smem:$0x3FFE];
	_ =	sdelay $0x1  }
0x8a: {  	s1 =	srdreg.scid  }
0x8b: {  	s0 =	sand.u32 $0x1, s1  }
0x8c: {  	s16 =	sshll.u32 s0, $0xA;
	s2 =	sadd.s32 s3, s2  }
0x8d: {  	s2 =	sadd.s32 s2, s16  }
0x8e: {  	[smem:$0x3FBD] =	sst s2  }
0x8f: {  	_ = 	snop  }
0x90: {  	(tm) =	ssettm $0x1  }
0x91: {  	s17 =	sld [smem:$0x3FFB];
	_ =	sdelay $0x3  }
0x92: {  	_ =	strace s17  }
0x93: {  	s2 =	sld [smem:$0x3FFC];
	_ =	sdelay $0x3  }
0x94: {  	_ =	strace s2  }
0x95: {  	s2 =	sld [smem:$0x3FFD];
	_ =	sdelay $0x3  }
0x96: {  	_ =	strace s2  }
0x97: {  	_ =	strace $0x8FFFFFFF  }
0x98: {  	s18 =	sld [smem:$0x3FDB];
	_ =	sdelay $0x1  }
0x99: {  	s19 =	simm.s32 $_scs_section_size  }
0x9a: {  	s4 =	simm.s32 $_size__tile_overlayer_lowered;
	s5 =	simm.s32 $_tile_overlayer_lowered  }
0x9b: {  	s22 =	simm.s32 $0x1BFF;
	s21 =	sshll.u32 s5, $0x1;
	s2 =	sadd.s32 s19, s18  }
0x9c: {  	s6 =	simm.s32 $0x0;
	s20 =	sshll.u32 s4, $0x1;
	s4 =	sadd.s32 s21, s2  }
0x9d: {  	[timem:s6], [sflag:s22] =	dma.local [hbm:s4], s20  }
0x9e: {  	_ =	swait.ge [sflag:s22], s20  }
0x9f: {  	s3 =	ssub.s32 $0x0, s20;
	[sflag:s22] =	ssyncset.done $0x0  }
0xa0: {  	[sflag:s22] =	ssyncadd.s32 s3;
	_ =	sdelay $0x1  }
0xa1: {  	s23 =	simm.s32 $0x1B8B  }
0xa2: {  	_ =	swait.ge [sflag:s23], $0x1  }
0xa3: {  	[sflag:s23] =	ssyncset.done $0x0  }
0xa4: {  	s25 =	simm.s32 $0x1B8E;
	s24 =	sld [smem:$0x3FFE];
	[sflag:s23] =	ssyncadd.s32 $0xFFFFFFFF  }
0xa5: {  	s26 =	simm.s32 $execute0_lowered;
	[smem:$0x3FD2] =	sst s25  }
0xa6: {  	s4 =	sshll.u32 s26, $0x1;
	_ =	strace $0x8000004C;
	[dreg:$0x1] =	wrdreg $0xFFFFFFFF  }
0xa7: {  	s28 =	simm.s32 $_size_execute0_lowered;
	s2 =	sadd.s32 s2, s4;
	[dreg:$0x0] =	wrdreg $0x0  }
0xa8: {  	s4 =	sshll.u32 s28, $0x1;
	[dreg:$0x2] =	wrdreg s2  }
0xa9: {  	[dreg:$0x3] =	wrdreg s4  }
0xaa: {  	[dreg:$0x4] =	wrdreg $0xC0  }
0xab: {  	_ =	task [dreg:s6], $0x5FFFF  }
0xac: {  	[dreg:$0x1] =	wrdreg $0xFFFFFFFF  }
0xad: {  	[dreg:$0x0] =	wrdreg $0x60  }
0xae: {  	[dreg:$0x2] =	wrdreg s24  }
0xaf: {  	[dreg:$0x3] =	wrdreg $0xB7800  }
0xb0: {  	[dreg:$0x4] =	wrdreg $0x9  }
0xb1: {  	_ =	task.clear_ibuf [dreg:s6], $0x5FFFF;
	_ =	strace $0x9000004C  }
0xb2: {  	s29 =	simm.s32 $0x9;
	_ =	strace $0x8000004E  }
0xb3: {  	_ =	swait.ge [sflag:s29], $0x1  }
0xb4: {  	[sflag:s29] =	ssyncadd.s32 $0xFFFFFFFF  }
0xb5: {  	_ =	strace $0x9000004E  }
0xb6: {  	_ =	sfence  }
0xb7: {  	s30 =	sld [smem:$0x0];
	_ =	sdelay $0x2  }
0xb8: {  	s31 =	sshll.u32 s1, $0xD;
	s1 =	sshrl.u32 s1, $0x2  }
0xb9: {  	s3 =	sand.u32 $0x4000, s31;
	s1 =	sadd.s32 s1, s30  }
0xba: {  	s0 =	sor.u32 s3, s0;
	s1 =	sshll.u32 s1, $0x11  }
0xbb: {  	s0 =	sor.u32 s1, s0  }
0xbc: {  	s0 =	sadd.s32 $0x8F2B, s0  }
0xbd: {  	[sflag:s0] =	ssyncadd.remote.s32 $0x1  }
0xbe: {  	_ =	sfence.sel $0xFFFF  }
0xbf: {  	[dreg:$0x0] =	wrdreg $0xFFFFFFFF;
	(pc) =	sbr.abs _section_cstart, $3  }
0xc0: {  	[dreg:$0x1] =	wrdreg $0xFFFFFFFF  }
0xc1: {  	_ =	task.clear_ibuf [dreg:s6], $0x2FFFF;
	_ =	strace $0x9FFFFFFF  }
0xc2: {  	(tm) =	ssettm $0x7FFFFFFF  }
0xc3: {  	_ =	shalt  }
tec
execute0_lowered:
.L_overlay_start_1:
0x0: {  	(tag) =	ssettag $0x1  }
0x1: {  	s0 =	srdreg.scid;
	s6 =	rddreg [dreg:$0x0]  }
0x2: {  	s2 =	rddreg [dreg:$0x1];
	s3 =	simm.s32 $0x0;
	s13 =	simm.s32 $0x6780  }
0x3: {  	s14 =	simm.s32 $0x8F80;
	s17 =	simm.s32 $0x1;
	s18 =	simm.s32 $0x2  }
0x4: {  	s19 =	simm.s32 $0x6480;
	s20 =	simm.s32 $0x26C0;
	s21 =	simm.s32 $0x6500  }
0x5: {  	s22 =	simm.s32 $0x6580;
	s5 =	sand.u32 $0x1, s0;
	s0 =	stileid.u32  }
0x6: {  	s23 =	simm.s32 $0x0;
	[smem:$0x7FF] =	sst s3;
	s9 =	smul.u32 $0x140000, s5  }
0x7: {  	s4 =	sadd.s32 $0x20000, s6;
	s1 =	sshll.u32 s5, $0x4;
	s10 =	smul.u32 $0x14000, s0  }
0x8: {  	s30 =	ssub.s32 $0x2, s5;
	s12 =	smul.u32 $0x50000, s0;
	s5 =	sadd.s32 $0x1D800, s6  }
0x9: {  	s15 =	sshll.u32 s0, $0x6;
	s7 =	sor.u32 s0, s1;
	s1 =	rddreg [dreg:$0x2]  }
0xa: {  	_ =	strace $0x8000004D;
	s11 =	sshrl.u32 s30, $0x1;
	s15 =	sor.u32 $0x1C03, s15  }
0xb: {  	s8 =	smul.u32 $0x4E2, s7;
	s7 =	sshll.u32 s7, $0xB;
	s9 =	sadd.s32 s10, s9  }
0xc: {  	s10 =	ssub.s32 s30, s11;
	s31 =	sshrl.u32 s12, $0x2;
	s11 =	simm.s32 $0x2780  }
0xd: {  	s12 =	simm.s32 $0x50;
	s7 =	sadd.s32 s7, s6;
	s9 =	sshrl.u32 s9, $0x3  }
0xe: {  	s16 =	sadd.s32 s31, s2;
	s8 =	sadd.s32 s8, s6;
	s9 =	sadd.s32 s9, s6  }
0xf: {  	s7 =	sadd.s32 $0xD800, s7;
	s16 =	sshrl.u32 s16, $0x3;
	s6 =	sadd.s32 $0x3A00, s8  }
0x10: {  	s8 =	sadd.s32 $0x47200, s9;
	s9 =	smax.u32 s10, $0x1;
	s10 =	simm.s32 $0x3  }
.LBB2_1:
0x11: {  	[tilespmem:s3], [sflag:$0x3] =	stream.linear.gather [hbm4b:s6+s3], $0x2710, $0x38;
	[tilespmem:$0x1F780] =	vst v63  }
0x12: {  	_ =	swait.ge [sflag:s10], $0x2710  }
0x13: {  	[sflag:s10] =	ssyncset.done $0x0  }
0x14: {  	[sflag:s10] =	ssyncadd.s32 $0xFFFFD8F0  }
0x15: {  	[tilespmem:s11], [sflag:$0x3] =	stream.linear.gather [hbm4b:s7+s3], $0x3E80, $0x38;
	[tilespmem:$0x1F780] =	vst v63  }
0x16: {  	_ =	swait.ge [sflag:s10], $0x3E80  }
0x17: {  	[sflag:s10] =	ssyncset.done $0x0  }
0x18: {  	[sflag:s10] =	ssyncadd.s32 $0xFFFFC180  }
0x19: {  	[tilespmem:s13], [sflag:$0x1] =	stream.indirect.gather [hbm4b:s4+s12], $0x80, s3, s12, $0xb8;
	[tilespmem:$0x1F780] =	vst v63  }
0x1a: {  	_ = 	snop  }
0x1b: {  	[tilespmem:s14], [sflag:$0x2] =	stream.indirect.gather [hbm4b:s4+s12], $0x80, s12, s12, $0xb8;
	[tilespmem:$0x1F780] =	vst v63  }
0x1c: {  	[spmem:s16], [sflag:s15] =	dma.local [hbm:s5], $0x2800  }
0x1d: {  	_ =	swait.ge [sflag:s10], $0x2800  }
0x1e: {  	[sflag:s10] =	ssyncset.done $0x0  }
0x1f: {  	[sflag:s10] =	ssyncadd.s32 $0xFFFFD800  }
0x20: {  	[bflag:$0x0] =	sbarrier.arrive $0xFFFF  }
0x21: {  	_ =	swait.ge [sflag:s17], $0x2800  }
0x22: {  	[sflag:s17] =	ssyncset.done $0x0  }
0x23: {  	s24 =	simm.s32 $0x2780;
	[sflag:s17] =	ssyncadd.s32 $0xFFFFD800  }
0x24: {  	[spmem:s2] =	stream.indirect.scatter.add.f32 [tilespmem:s13], [sflag:$0x3], $0x80, s24, s12, $0xb8;
	[tilespmem:$0x1F780] =	vst v63  }
0x25: {  	_ =	swait.ge [sflag:s10], $0x2800  }
0x26: {  	[sflag:s10] =	ssyncset.done $0x0  }
0x27: {  	s30 =	simm.s32 $0xA0;
	[sflag:s10] =	ssyncadd.s32 $0xFFFFD800  }
0x28: {  	[tilespmem:s13], [sflag:$0x1] =	stream.indirect.gather [hbm4b:s4+s12], $0x80, s30, s12, $0xb8;
	[tilespmem:$0x1F780] =	vst v63  }
0x29: {  	_ =	swait.ge [sflag:s18], $0x2800  }
0x2a: {  	[sflag:s18] =	ssyncset.done $0x0  }
0x2b: {  	s31 =	simm.s32 $0x2800;
	[sflag:s18] =	ssyncadd.s32 $0xFFFFD800  }
0x2c: {  	[spmem:s2] =	stream.indirect.scatter.add.f32 [tilespmem:s14], [sflag:$0x3], $0x80, s31, s12, $0xb8;
	[tilespmem:$0x1F780] =	vst v63  }
0x2d: {  	_ =	swait.ge [sflag:s10], $0x2800  }
0x2e: {  	s25 =	simm.s32 $0x400;
	[sflag:s10] =	ssyncset.done $0x0  }
0x2f: {  	s26 =	simm.s32 $0x190;
	s24 =	simm.s32 $0xF0;
	[sflag:s10] =	ssyncadd.s32 $0xFFFFD800  }
.LBB2_2:
0x30: {  	[tilespmem:s14], [sflag:$0x2] =	stream.indirect.gather [hbm4b:s4+s12], $0x80, s24, s12, $0xb8;
	[tilespmem:$0x1F780] =	vst v63  }
0x31: {  	s28 =	smov.u32 s25;
	s24 =	smov.u32 s26  }
0x32: {  	p0 =	sne.s32 s25, $0xF000;
	s25 =	sadd.s32 $0x400, s25;
	_ =	swait.ge [sflag:s17], $0x2800  }
0x33: {  	s28 =	sshra.s32 s28, $0x2;
	[sflag:s17] =	ssyncset.done $0x0  }
0x34: {  	s29 =	sadd.s32 $0x2780, s28;
	[sflag:s17] =	ssyncadd.s32 $0xFFFFD800  }
0x35: {  	[spmem:s2] =	stream.indirect.scatter.add.f32 [tilespmem:s13], [sflag:$0x3], $0x80, s29, s12, $0xb8;
	[tilespmem:$0x1F780] =	vst v63  }
0x36: {  	_ =	swait.ge [sflag:s10], $0x2800  }
0x37: {  	[sflag:s10] =	ssyncset.done $0x0  }
0x38: {  	s29 =	sadd.s32 $0xFFFFFFB0, s26;
	[sflag:s10] =	ssyncadd.s32 $0xFFFFD800  }
0x39: {  	[tilespmem:s13], [sflag:$0x1] =	stream.indirect.gather [hbm4b:s4+s12], $0x80, s29, s12, $0xb8;
	[tilespmem:$0x1F780] =	vst v63  }
0x3a: {  	_ =	swait.ge [sflag:s18], $0x2800  }
0x3b: {  	[sflag:s18] =	ssyncset.done $0x0  }
.Ltmp0:
0x3c: {  	s28 =	sadd.s32 $0x2800, s28;
	[sflag:s18] =	ssyncadd.s32 $0xFFFFD800;
	(pc) =	sbr.rel @p0 .LBB2_2-.Ltmp0, $4  }
0x3d: {  	[spmem:s2] =	stream.indirect.scatter.add.f32 [tilespmem:s14], [sflag:$0x3], $0x80, s28, s12, $0xb8;
	[tilespmem:$0x1F780] =	vst v63  }
0x3e: {  	_ =	swait.ge [sflag:s10], $0x2800  }
0x3f: {  	[sflag:s10] =	ssyncset.done $0x0  }
0x40: {  	s26 =	sadd.s32 $0xA0, s26;
	[sflag:s10] =	ssyncadd.s32 $0xFFFFD800  }
0x41: {  	[tilespmem:s14], [sflag:$0x2] =	stream.indirect.gather [hbm4b:s4+s12], $0x80, s24, s12, $0xb8;
	[tilespmem:$0x1F780] =	vst v63  }
0x42: {  	_ =	swait.ge [sflag:s17], $0x2800  }
0x43: {  	[sflag:s17] =	ssyncset.done $0x0  }
0x44: {  	[sflag:s17] =	ssyncadd.s32 $0xFFFFD800  }
0x45: {  	[spmem:s2] =	stream.indirect.scatter.add.f32 [tilespmem:s13], [sflag:$0x3], $0x80, s19, s12, $0xb8;
	[tilespmem:$0x1F780] =	vst v63  }
0x46: {  	_ =	swait.ge [sflag:s10], $0x2800  }
0x47: {  	[sflag:s10] =	ssyncset.done $0x0  }
0x48: {  	[sflag:s10] =	ssyncadd.s32 $0xFFFFD800  }
0x49: {  	[tilespmem:s13], [sflag:$0x1] =	stream.indirect.gather [hbm4b:s4+s12], $0x80, s20, s12, $0xb8;
	[tilespmem:$0x1F780] =	vst v63  }
0x4a: {  	_ =	swait.ge [sflag:s18], $0x2800  }
0x4b: {  	[sflag:s18] =	ssyncset.done $0x0  }
0x4c: {  	[sflag:s18] =	ssyncadd.s32 $0xFFFFD800  }
0x4d: {  	[spmem:s2] =	stream.indirect.scatter.add.f32 [tilespmem:s14], [sflag:$0x3], $0x80, s21, s12, $0xb8;
	[tilespmem:$0x1F780] =	vst v63  }
0x4e: {  	_ =	swait.ge [sflag:s10], $0x2800  }
0x4f: {  	[sflag:s10] =	ssyncset.done $0x0  }
0x50: {  	[sflag:s10] =	ssyncadd.s32 $0xFFFFD800  }
0x51: {  	_ =	swait.ge [sflag:s17], $0x2800  }
0x52: {  	[sflag:s17] =	ssyncset.done $0x0  }
0x53: {  	[sflag:s17] =	ssyncadd.s32 $0xFFFFD800  }
0x54: {  	[spmem:s2] =	stream.indirect.scatter.add.f32 [tilespmem:s13], [sflag:$0x3], $0x80, s22, s12, $0xb8;
	[tilespmem:$0x1F780] =	vst v63  }
0x55: {  	_ =	swait.ge [sflag:s10], $0x2800  }
0x56: {  	s23 =	sadd.s32 $0x1, s23;
	[sflag:s10] =	ssyncset.done $0x0  }
0x57: {  	p0 =	sne.s32 s23, s9;
	[sflag:s10] =	ssyncadd.s32 $0xFFFFD800  }
.Ltmp1:
0x58: {  	[bflag:$0x0] =	sbarrier.arrive $0xFFFF;
	(pc) =	sbr.rel @p0 .LBB2_1-.Ltmp1, $4  }
0x59: {  	[hbm:s8], [sflag:s15] =	dma.local [spmem:s16], $0x2800  }
0x5a: {  	_ =	swait.ge [sflag:s10], $0x2800  }
0x5b: {  	[sflag:s10] =	ssyncset.done $0x0  }
0x5c: {  	[sflag:s10] =	ssyncadd.s32 $0xFFFFD800  }
0x5d: {  	_ =	sfence.sel $0x180000  }
0x5e: {  	[bflag:$0x0] =	sbarrier.arrive $0xFFFF  }
0x5f: {  	p0 =	sne.s32 s0, $0x0;
	_ =	strace $0x9000004D  }
0x60: {  	s0 =	sadd.s32 @!p0 $0x100000, s1;
	[bflag:$0x2] =	sbarrier.arrive $0xFFFF  }
0x61: {  	[sflag:s0] =	ssyncadd.tile.s32 @!p0 $0x1;
	_ =	shalt  }
.Lfunc_end2:
_tile_overlayer_lowered:
.L_overlay_start_2:
0x62: {  	(tag) =	ssettag $0x2  }
0x63: {  	s0 =	rddreg [dreg:$0x0];
	s2 =	stileid.u32  }
0x64: {  	s1 =	rddreg [dreg:$0x1];
	p0 =	sne.s32 s2, $0x0  }
0x65: {  	s3 =	rddreg [dreg:$0x2];
	[bflag:$0x3] =	sbarrier.arrive $0xFFFF;
	s2 =	simm.s32 @!p0 $0x1C03  }
0x66: {  	[timem:s3], [sflag:s2] =	dma.local @!p0 [hbm:s0], s1  }
0x67: {  	s0 =	simm.s32 @!p0 $0x3  }
0x68: {  	_ =	swait.ge @!p0 [sflag:s0], s1  }
0x69: {  	s1 =	ssub.s32 @!p0 $0x0, s1;
	[sflag:s0] =	ssyncset.done @!p0 $0x0  }
0x6a: {  	[sflag:s0] =	ssyncadd.s32 @!p0 s1  }
0x6b: {  	[bflag:$0x3] =	sbarrier.arrive $0xFFFF  }
0x6c: {  	_ =	shalt  }

// kernel: kernel.8.cloned.1.call-start
scs
__scs_entry_jumppad:
0x0: {  	(pc) =	sbr.rel $0x88, $3  }
0x1: {  	(tag) =	ssettag $0x0;
	lr =	simm.s32 $0x1  }
0x2: {  	[smem:$0x3F96] =	sst lr;
	_ =	strace $0xD0000000  }
0x3: {  	_ = 	snop  }
0x4: {  	_ = 	snop  }
0x5: {  	_ = 	snop  }
0x6: {  	_ = 	snop  }
0x7: {  	_ = 	snop  }
__scs_overlays_trampoline_lowered:
0x8: {  	[smem:$0x3FA5] =	sst s0  }
0x9: {  	[smem:$0x3FA6] =	sst s1  }
0xa: {  	[smem:$0x3FA7] =	sst s2  }
0xb: {  	[smem:$0x3FA8] =	sst s3  }
0xc: {  	[smem:$0x3FA9] =	sst s4  }
0xd: {  	[smem:$0x3FAA] =	sst s5  }
0xe: {  	[smem:$0x3FAB] =	sst s6  }
0xf: {  	[smem:$0x3FAC] =	sst s7  }
0x10: {  	[smem:$0x3FAD] =	sst s8  }
0x11: {  	[smem:$0x3FAE] =	sst s9;
	s0 =	simm.s32 @!p0 $0x0  }
0x12: {  	s1 =	sld [smem:$0x3F94];
	s0 =	simm.s32 @p0 $0x1  }
0x13: {  	[smem:$0x3FAF] =	sst s0;
	s0 =	simm.s32 @!p1 $0x0  }
0x14: {  	s2 =	sld [smem:$0x3F93];
	s0 =	simm.s32 @p1 $0x1  }
0x15: {  	[smem:$0x3FB0] =	sst s0;
	s0 =	simm.s32 @!p2 $0x0  }
0x16: {  	s3 =	sld [smem:$0x3FDB];
	s0 =	simm.s32 @p2 $0x1  }
0x17: {  	s4 =	simm.s32 $0x1BF5;
	[smem:$0x3FB2] =	sst s0  }
0x18: {  	s0 =	sld [smem:$0x3F95];
	_ =	swait.ge [sflag:s4], $0x0  }
0x19: {  	s7 =	sld [smem:$0x3F96]  }
0x1a: {  	s8 =	sadd.s32 $0xFFFFE003, lr  }
0x1b: {  	s9 =	sadd.s32 $0xFFFFFEF7, lr;
	s5 =	simm.s32 $0xFFFFFFFF;
	p2 =	slt.u32 s8, $0xFFFFF086  }
0x1c: {  	p1 =	slt.u32 s9, $0xF7A;
	s5 =	simm.s32 @!p2 $0x0  }
0x1d: {  	s5 =	simm.s32 @p1 $0x1;
	p0 =	seq.s32 s7, s2  }
0x1e: {  	s7 =	smul.u32 @!p0 $0xF7A, s2;
	p2 =	seq.s32 @!p0 s5, $0x0  }
0x1f: {  	s9 =	smul.u32 $0xF7A, s1;
	s8 =	simm.s32 @!p0 $0x1BF5;
	p2 =	por !p2, p0  }
0x20: {  	[sflag:s8] =	ssyncset.s32 @!p0 $0xFFFFF086;
	s6 =	sadd.s32 @!p0 s3, s7;
	s7 =	simm.s32 @!p0 $0x108  }
0x21: {  	s3 =	sadd.s32 s3, s9;
	s6 =	sadd.s32 @!p0 $0x88, s6;
	s7 =	simm.s32 @p2 $0x1082  }
0x22: {  	[simem:s7], [sflag:s8] =	dma.local @!p0 [hbm:s6], $0xF7A  }
0x23: {  	s9 =	sor.u32 $0xD0000000, s2;
	s6 =	simm.s32 $0x108;
	_ =	swait.ge @!p0 [sflag:s8], $0x0  }
0x24: {  	s3 =	sadd.s32 $0x88, s3;
	s6 =	simm.s32 @!p1 $0x1082;
	[sflag:s4] =	ssyncset.s32 $0xFFFFF086  }
0x25: {  	[simem:s6], [sflag:s4] =	dma.local [hbm:s3], $0xF7A  }
0x26: {  	[smem:$0x3F96] =	sst s1;
	(tag) =	ssettag s2;
	_ =	strace s9  }
0x27: {  	s1 =	sld [smem:$0x3FA6]  }
0x28: {  	s2 =	sld [smem:$0x3FA7]  }
0x29: {  	s4 =	sld [smem:$0x3FA9]  }
0x2a: {  	p0 =	seq.s32 s5, $0x0;
	s5 =	sld [smem:$0x3FAA]  }
0x2b: {  	s6 =	sld [smem:$0x3FAB]  }
0x2c: {  	s7 =	sld [smem:$0x3FAC]  }
0x2d: {  	s3 =	simm.s32 $0x108;
	s8 =	sld [smem:$0x3FAD]  }
0x2e: {  	s3 =	simm.s32 @!p0 $0x1082;
	s9 =	sld [smem:$0x3FAE]  }
0x2f: {  	lr =	sadd.s32 s0, s3;
	s0 =	sld [smem:$0x3FA5]  }
0x30: {  	s3 =	sld [smem:$0x3FA8]  }
0x31: {  	[smem:$0x3FB1] =	sst s10  }
0x32: {  	s10 =	sld [smem:$0x3FAF];
	_ =	sdelay $0x3  }
0x33: {  	p0 =	seq.s32 s10, $0x1;
	s10 =	sld [smem:$0x3FB1];
	_ =	sdelay $0x3  }
0x34: {  	[smem:$0x3FB1] =	sst s10  }
0x35: {  	s10 =	sld [smem:$0x3FB0];
	_ =	sdelay $0x3  }
0x36: {  	p1 =	seq.s32 s10, $0x1;
	s10 =	sld [smem:$0x3FB1];
	_ =	sdelay $0x3  }
0x37: {  	[smem:$0x3FB1] =	sst s10  }
0x38: {  	s10 =	sld [smem:$0x3FB2]  }
0x39: {  	_ = 	snop;
	(pc) =	sbr.ind lr, $3  }
0x3a: {  	_ = 	snop  }
0x3b: {  	_ = 	snop  }
0x3c: {  	p2 =	seq.s32 s10, $0x1;
	s10 =	sld [smem:$0x3FB1]  }
0x3d: {  	_ =	shalt  }
0x3e: {  	_ =	shalt  }
0x3f: {  	_ =	shalt  }
0x40: {  	_ =	shalt  }
0x41: {  	_ =	shalt  }
0x42: {  	_ =	shalt  }
0x43: {  	_ =	shalt  }
0x44: {  	_ =	shalt  }
0x45: {  	_ =	shalt  }
0x46: {  	_ =	shalt  }
0x47: {  	_ =	shalt  }
0x48: {  	_ =	shalt  }
0x49: {  	_ =	shalt  }
0x4a: {  	_ =	shalt  }
0x4b: {  	_ =	shalt  }
0x4c: {  	_ =	shalt  }
0x4d: {  	_ =	shalt  }
0x4e: {  	_ =	shalt  }
0x4f: {  	_ =	shalt  }
0x50: {  	_ =	shalt  }
0x51: {  	_ =	shalt  }
0x52: {  	_ =	shalt  }
0x53: {  	_ =	shalt  }
0x54: {  	_ =	shalt  }
0x55: {  	_ =	shalt  }
0x56: {  	_ =	shalt  }
0x57: {  	_ =	shalt  }
0x58: {  	_ =	shalt  }
0x59: {  	_ =	shalt  }
0x5a: {  	_ =	shalt  }
0x5b: {  	_ =	shalt  }
0x5c: {  	_ =	shalt  }
0x5d: {  	_ =	shalt  }
0x5e: {  	_ =	shalt  }
0x5f: {  	_ =	shalt  }
0x60: {  	_ =	shalt  }
0x61: {  	_ =	shalt  }
0x62: {  	_ =	shalt  }
0x63: {  	_ =	shalt  }
0x64: {  	_ =	shalt  }
0x65: {  	_ =	shalt  }
0x66: {  	_ =	shalt  }
0x67: {  	_ =	shalt  }
0x68: {  	_ =	shalt  }
0x69: {  	_ =	shalt  }
0x6a: {  	_ =	shalt  }
0x6b: {  	_ =	shalt  }
0x6c: {  	_ =	shalt  }
0x6d: {  	_ =	shalt  }
0x6e: {  	_ =	shalt  }
0x6f: {  	_ =	shalt  }
0x70: {  	_ =	shalt  }
0x71: {  	_ =	shalt  }
0x72: {  	_ =	shalt  }
0x73: {  	_ =	shalt  }
0x74: {  	_ =	shalt  }
0x75: {  	_ =	shalt  }
0x76: {  	_ =	shalt  }
0x77: {  	_ =	shalt  }
0x78: {  	_ =	shalt  }
0x79: {  	_ =	shalt  }
0x7a: {  	_ =	shalt  }
0x7b: {  	_ =	shalt  }
0x7c: {  	_ =	shalt  }
0x7d: {  	_ =	shalt  }
0x7e: {  	_ =	shalt  }
0x7f: {  	_ =	shalt  }
0x80: {  	_ =	shalt  }
0x81: {  	_ =	shalt  }
0x82: {  	_ =	shalt  }
0x83: {  	_ =	shalt  }
0x84: {  	_ =	shalt  }
0x85: {  	_ =	shalt  }
0x86: {  	_ =	shalt  }
0x87: {  	_ =	shalt  }
.Lfunc_end0:
.L_simem_size_0:
called_computation_lowered:
.L_overlay_start_0:
0x88: {  	s2 =	sld [smem:$0x3FD9]  }
0x89: {  	s3 =	sld [smem:$0x3FFE];
	_ =	sdelay $0x1  }
0x8a: {  	s1 =	srdreg.scid  }
0x8b: {  	s0 =	sand.u32 $0x1, s1  }
0x8c: {  	s14 =	sshll.u32 s0, $0xA;
	s2 =	sadd.s32 s3, s2  }
0x8d: {  	s2 =	sadd.s32 s2, s14  }
0x8e: {  	[smem:$0x3FBD] =	sst s2  }
0x8f: {  	_ = 	snop  }
0x90: {  	s2 =	sld [smem:$0x3FD0];
	_ =	sdelay $0x2  }
0x91: {  	s15 =	simm.s32 $0xA;
	s4 =	simm.s32 $0x10  }
0x92: {  	[smem:s4], [sflag:s15] =	dma.local [hbm:s2], $0x1  }
0x93: {  	_ =	swait.eq [sflag:s15], $0x1  }
0x94: {  	[sflag:s15] =	ssyncset.done $0x0  }
0x95: {  	[sflag:s15] =	ssyncadd.s32 $0xFFFFFFFF  }
0x96: {  	s16 =	sld [smem:$0x11];
	(tm) =	ssettm $0x1  }
0x97: {  	s17 =	sld [smem:$0x3FFB];
	_ =	sdelay $0x3  }
0x98: {  	_ =	strace s17  }
0x99: {  	s3 =	sld [smem:$0x3FFC];
	_ =	sdelay $0x3  }
0x9a: {  	_ =	strace s3  }
0x9b: {  	s3 =	sld [smem:$0x3FFD];
	_ =	sdelay $0x3  }
0x9c: {  	_ =	strace s3  }
0x9d: {  	_ =	strace $0x8FFFFFFF  }
0x9e: {  	s18 =	sld [smem:$0x3FDB];
	_ =	sdelay $0x1  }
0x9f: {  	s19 =	simm.s32 $_scs_section_size  }
0xa0: {  	s5 =	simm.s32 $_size__tile_overlayer_lowered;
	s6 =	simm.s32 $_tile_overlayer_lowered  }
0xa1: {  	s22 =	simm.s32 $0x1BFF;
	s21 =	sshll.u32 s6, $0x1;
	s3 =	sadd.s32 s19, s18  }
0xa2: {  	s7 =	simm.s32 $0x0;
	s20 =	sshll.u32 s5, $0x1;
	s5 =	sadd.s32 s21, s3  }
0xa3: {  	[timem:s7], [sflag:s22] =	dma.local [hbm:s5], s20  }
0xa4: {  	_ =	swait.ge [sflag:s22], s20  }
0xa5: {  	s4 =	ssub.s32 $0x0, s20;
	[sflag:s22] =	ssyncset.done $0x0  }
0xa6: {  	[sflag:s22] =	ssyncadd.s32 s4;
	_ =	sdelay $0x1  }
0xa7: {  	s23 =	simm.s32 $0x1B8B  }
0xa8: {  	_ =	swait.ge [sflag:s23], $0x1  }
0xa9: {  	[sflag:s23] =	ssyncset.done $0x0  }
0xaa: {  	s25 =	simm.s32 $0x1B8E;
	s24 =	sld [smem:$0x3FFE];
	[sflag:s23] =	ssyncadd.s32 $0xFFFFFFFF  }
0xab: {  	s26 =	simm.s32 $execute0_lowered;
	[smem:$0x3FD2] =	sst s25  }
0xac: {  	s5 =	sshll.u32 s26, $0x1;
	_ =	strace $0x80000046;
	[dreg:$0x1] =	wrdreg $0xFFFFFFFF  }
0xad: {  	s28 =	simm.s32 $_size_execute0_lowered;
	s3 =	sadd.s32 s3, s5;
	[dreg:$0x0] =	wrdreg $0x0  }
0xae: {  	s5 =	sshll.u32 s28, $0x1;
	[dreg:$0x2] =	wrdreg s3  }
0xaf: {  	[dreg:$0x3] =	wrdreg s5  }
0xb0: {  	[dreg:$0x4] =	wrdreg $0xC0  }
0xb1: {  	_ =	task [dreg:s7], $0x5FFFF  }
0xb2: {  	[dreg:$0x1] =	wrdreg $0xFFFFFFFF  }
0xb3: {  	[dreg:$0x0] =	wrdreg $0x60  }
0xb4: {  	[dreg:$0x2] =	wrdreg s24  }
0xb5: {  	[dreg:$0x3] =	wrdreg s16  }
0xb6: {  	[dreg:$0x4] =	wrdreg $0x68000  }
0xb7: {  	[dreg:$0x5] =	wrdreg $0x9  }
0xb8: {  	_ =	task.clear_ibuf [dreg:s7], $0x6FFFF;
	_ =	strace $0x90000046  }
0xb9: {  	s29 =	simm.s32 $0x9;
	_ =	strace $0x80000048  }
0xba: {  	_ =	swait.ge [sflag:s29], $0x1  }
0xbb: {  	[sflag:s29] =	ssyncadd.s32 $0xFFFFFFFF  }
0xbc: {  	_ =	strace $0x90000048  }
0xbd: {  	_ =	sfence  }
0xbe: {  	s30 =	sld [smem:$0x0];
	_ =	sdelay $0x2  }
0xbf: {  	s31 =	sshll.u32 s1, $0xD;
	s1 =	sshrl.u32 s1, $0x2  }
0xc0: {  	s3 =	sand.u32 $0x4000, s31;
	s1 =	sadd.s32 s1, s30  }
0xc1: {  	s0 =	sor.u32 s3, s0;
	s1 =	sshll.u32 s1, $0x11  }
0xc2: {  	s0 =	sor.u32 s1, s0  }
0xc3: {  	s0 =	sadd.s32 $0x8F2B, s0  }
0xc4: {  	[sflag:s0] =	ssyncadd.remote.s32 $0x1  }
0xc5: {  	_ =	sfence.sel $0xFFFF  }
0xc6: {  	[dreg:$0x0] =	wrdreg $0xFFFFFFFF;
	(pc) =	sbr.abs _section_cstart, $3  }
0xc7: {  	[dreg:$0x1] =	wrdreg $0xFFFFFFFF  }
0xc8: {  	_ =	task.clear_ibuf [dreg:s7], $0x2FFFF;
	_ =	strace $0x9FFFFFFF  }
0xc9: {  	(tm) =	ssettm $0x7FFFFFFF  }
tec
execute0_lowered:
.L_overlay_start_1:
0x0: {  	(tag) =	ssettag $0x1  }
0x1: {  	s6 =	rddreg [dreg:$0x0]  }
0x2: {  	s2 =	rddreg [dreg:$0x1];
	s0 =	srdreg.scid  }
0x3: {  	s3 =	rddreg [dreg:$0x2];
	s1 =	stileid.u32;
	s4 =	simm.s32 $0x0  }
0x4: {  	s13 =	simm.s32 $0x50;
	s7 =	sand.u32 $0x1, s0;
	s0 =	rddreg [dreg:$0x3]  }
0x5: {  	s14 =	simm.s32 $0x0;
	s8 =	smul.u32 $0x14000, s1;
	[smem:$0x7FF] =	sst s4  }
0x6: {  	s9 =	sshll.u32 s1, $0xB;
	s10 =	smul.u32 $0x50000, s1;
	s31 =	sshll.u32 s1, $0x6  }
0x7: {  	s5 =	smul.u32 $0x140000, s7;
	_ =	strace $0x80000047;
	s28 =	ssub.s32 $0x2, s7  }
0x8: {  	s9 =	sadd.s32 s9, s6;
	s7 =	sshll.u32 s7, $0xF;
	s11 =	sshrl.u32 s28, $0x1  }
0x9: {  	s7 =	sadd.s32 s7, s9;
	s29 =	sshrl.u32 s10, $0x2;
	s9 =	simm.s32 $0x1  }
0xa: {  	s10 =	simm.s32 $0x4000;
	s8 =	sadd.s32 s8, s5;
	s5 =	sadd.s32 $0x1D800, s6  }
0xb: {  	s30 =	ssub.s32 s28, s11;
	s12 =	sadd.s32 s29, s3;
	s8 =	sshrl.u32 s8, $0x3  }
0xc: {  	s11 =	sor.u32 $0x1C01, s31;
	s12 =	sshrl.u32 s12, $0x3;
	s8 =	sadd.s32 s8, s6  }
0xd: {  	s6 =	sadd.s32 $0xD800, s7;
	s7 =	sadd.s32 $0x20000, s8;
	s8 =	smax.u32 s30, $0x1  }
.LBB2_1:
0xe: {  	[tilespmem:s4], [sflag:$0x1] =	stream.linear.gather [hbm4b:s6+s4], $0x3E80, $0x38;
	[tilespmem:$0x1A800] =	vst v63  }
0xf: {  	_ =	swait.ge [sflag:s9], $0x3E80  }
0x10: {  	[sflag:s9] =	ssyncset.done $0x0  }
0x11: {  	[sflag:s9] =	ssyncadd.s32 $0xFFFFC180  }
0x12: {  	[tilespmem:s10], [sflag:$0x1] =	stream.linear.gather [hbm4b:s2+s4], $0x2800, $0x38;
	[tilespmem:$0x1A800] =	vst v63  }
0x13: {  	_ =	swait.ge [sflag:s9], $0x2800  }
0x14: {  	[sflag:s9] =	ssyncset.done $0x0  }
0x15: {  	[sflag:s9] =	ssyncadd.s32 $0xFFFFD800  }
0x16: {  	[spmem:s12], [sflag:s11] =	dma.local [hbm:s5], $0x2800  }
0x17: {  	_ =	swait.ge [sflag:s9], $0x2800  }
0x18: {  	[sflag:s9] =	ssyncset.done $0x0  }
0x19: {  	[sflag:s9] =	ssyncadd.s32 $0xFFFFD800  }
0x1a: {  	s15 =	simm.s32 $0x0;
	[bflag:$0x0] =	sbarrier.arrive $0xFFFF  }
0x1b: {  	[spmem:s3] =	stream.indirect.scatter.add.f32 [tilespmem:s10], [sflag:$0x1], $0x80, s15, s13, $0xb8;
	[tilespmem:$0x1A800] =	vst v63  }
0x1c: {  	_ =	swait.ge [sflag:s9], $0x2800  }
0x1d: {  	s15 =	simm.s32 $0x200;
	[sflag:s9] =	ssyncset.done $0x0  }
.LBB2_2:
0x1e: {  	s16 =	sshra.s32 s15, $0x2;
	[sflag:s9] =	ssyncadd.s32 $0xFFFFD800;
	p0 =	sne.s32 s15, $0xF800  }
0x1f: {  	[spmem:s3] =	stream.indirect.scatter.add.f32 [tilespmem:s10], [sflag:$0x1], $0x80, s16, s13, $0xb8;
	[tilespmem:$0x1A800] =	vst v63  }
.Ltmp0:
0x20: {  	_ = 	snop;
	(pc) =	sbr.rel @p0 .LBB2_2-.Ltmp0, $4  }
0x21: {  	_ = 	snop  }
0x22: {  	s15 =	sadd.s32 $0x200, s15  }
0x23: {  	_ =	swait.ge [sflag:s9], $0x2800  }
0x24: {  	[sflag:s9] =	ssyncset.done $0x0  }
0x25: {  	s14 =	sadd.s32 $0x1, s14  }
0x26: {  	[sflag:s9] =	ssyncadd.s32 $0xFFFFD800;
	p0 =	sne.s32 s14, s8  }
.Ltmp1:
0x27: {  	[bflag:$0x0] =	sbarrier.arrive $0xFFFF;
	(pc) =	sbr.rel @p0 .LBB2_1-.Ltmp1, $4  }
0x28: {  	[hbm:s7], [sflag:s11] =	dma.local [spmem:s12], $0x2800  }
0x29: {  	_ =	swait.ge [sflag:s9], $0x2800  }
0x2a: {  	[sflag:s9] =	ssyncset.done $0x0  }
0x2b: {  	[sflag:s9] =	ssyncadd.s32 $0xFFFFD800  }
0x2c: {  	_ =	sfence.sel $0x180000  }
0x2d: {  	[bflag:$0x0] =	sbarrier.arrive $0xFFFF  }
0x2e: {  	p0 =	sne.s32 s1, $0x0;
	_ =	strace $0x90000047  }
0x2f: {  	s0 =	sadd.s32 @!p0 $0x100000, s0;
	[bflag:$0x2] =	sbarrier.arrive $0xFFFF  }
0x30: {  	[sflag:s0] =	ssyncadd.tile.s32 @!p0 $0x1;
	_ =	shalt  }
.Lfunc_end2:
_tile_overlayer_lowered:
.L_overlay_start_2:
0x31: {  	(tag) =	ssettag $0x2  }
0x32: {  	s0 =	rddreg [dreg:$0x0];
	s2 =	stileid.u32  }
0x33: {  	s1 =	rddreg [dreg:$0x1];
	p0 =	sne.s32 s2, $0x0  }
0x34: {  	s3 =	rddreg [dreg:$0x2];
	[bflag:$0x3] =	sbarrier.arrive $0xFFFF;
	s2 =	simm.s32 @!p0 $0x1C01  }
0x35: {  	[timem:s3], [sflag:s2] =	dma.local @!p0 [hbm:s0], s1  }
0x36: {  	s0 =	simm.s32 @!p0 $0x1  }
0x37: {  	_ =	swait.ge @!p0 [sflag:s0], s1  }
0x38: {  	s1 =	ssub.s32 @!p0 $0x0, s1;
	[sflag:s0] =	ssyncset.done @!p0 $0x0  }
0x39: {  	[sflag:s0] =	ssyncadd.s32 @!p0 s1  }
0x3a: {  	[bflag:$0x3] =	sbarrier.arrive $0xFFFF  }
0x3b: {  	_ =	shalt  }

</sc_bundles>
